<compile_context>
chip_gen: v7x
topology: tpu7x:2x2x1
jax: 0.10.2.dev20260603
libtpu: 0.0.44.dev20260713+nightly
codegen_flags: <defaults>
</compile_context>

<pallas_src>
import functools

import jax
import jax.numpy as jnp
from jax import lax
from jax.experimental import pallas as pl
from jax.experimental.pallas import tpu as pltpu
from jax.experimental.pallas import tpu_sc as plsc

D_MODEL = 64
D_PAD = 128
NUM_CORES = 2
NUM_SUBCORES = 16
NW = NUM_CORES * NUM_SUBCORES

CHUNK = 128
NBUF = 5
LA = 3


@functools.lru_cache(maxsize=None)
def _build(B):
    assert B % (NW * CHUNK * NBUF) == 0
    chunks_per_w = B // (NW * CHUNK)
    groups = chunks_per_w // NBUF
    mesh = plsc.VectorSubcoreMesh(core_axis_name="c", subcore_axis_name="s")

    @functools.partial(
        pl.kernel,
        mesh=mesh,
        out_type=jax.ShapeDtypeStruct((B, D_PAD), jnp.float32),
        scratch_types=[
            pltpu.VMEM((chunks_per_w, CHUNK), jnp.int32),
            pltpu.VMEM((NBUF, CHUNK, D_PAD), jnp.float32),
            pltpu.SemaphoreType.DMA((NBUF,)),
            pltpu.SemaphoreType.DMA((NBUF,)),
        ],
    )
    def emb(idx_hbm, table_hbm, out_hbm, idx_v, rows_v, gsem, osem):
        wid = lax.axis_index("s") * NUM_CORES + lax.axis_index("c")
        chunk0 = wid * chunks_per_w

        pltpu.sync_copy(idx_hbm.at[pl.ds(chunk0, chunks_per_w)], idx_v)

        def gather_start(c, b):
            pltpu.async_copy(table_hbm.at[idx_v.at[c]], rows_v.at[b],
                             gsem.at[b])

        def gather_wait(c, b):
            pltpu.make_async_copy(table_hbm.at[idx_v.at[c]], rows_v.at[b],
                                  gsem.at[b]).wait()

        def out_start(c, b):
            pltpu.async_copy(rows_v.at[b],
                             out_hbm.at[pl.ds((chunk0 + c) * CHUNK, CHUNK)],
                             osem.at[b])

        def out_wait(c, b):
            pltpu.make_async_copy(rows_v.at[b],
                                  out_hbm.at[pl.ds((chunk0 + c) * CHUNK,
                                                   CHUNK)],
                                  osem.at[b]).wait()

        nchunk = chunks_per_w

        for b in range(LA):
            gather_start(b, b)

        def body(g, carry):
            cbase = g * NBUF
            for b in range(NBUF):
                c = cbase + b
                gather_wait(c, b)
                out_start(c, b)
                c2 = c + LA
                b2 = (b + LA) % NBUF

                @pl.when(c2 < nchunk)
                def _issue():
                    @pl.when(c2 >= NBUF)
                    def _free():
                        out_wait(c2 - NBUF, b2)

                    gather_start(c2, b2)

            return carry

        lax.fori_loop(0, groups, body, 0, unroll=False)

        cbase = (groups - 1) * NBUF
        for b in range(NBUF):
            out_wait(cbase + b, b)

    return emb


def kernel(idx, E):
    nb, nt = idx.shape
    B = nb * nt
    Epad = jnp.pad(E, ((0, 0), (0, D_PAD - D_MODEL)))
    idx32 = idx.astype(jnp.int32).reshape(B // CHUNK, CHUNK)
    out_pad = _build(B)(idx32, Epad)
    return out_pad[:, :D_MODEL].reshape(nb, nt, D_MODEL)

# --- scband reference (transcript-rebuilt; emitter-appended) ---
"""Pipeline reference for scband-embedding-86612310491641 (READ-ONLY COPY).

The authoritative reference and input builder live on the scoring server;
editing this copy changes nothing except your own understanding.
"""

import jax, jax.numpy as jnp
import numpy as np

K = 1000000
D_MODEL = 64

def setup_inputs(seed: int = 0) -> dict:
    key = jax.random.key(seed)
    k1, k2 = jax.random.split(key)
    idx = jax.random.randint(k1, (16384, 50), 0, K, dtype=jnp.int64)
    E = jax.random.normal(k2, (K, D_MODEL), dtype=jnp.float32) * 0.05
    return {"idx": idx, "E": E}

def reference(idx, E):
    # Faithful translation of: self.weight[idx.to(torch.int), :]
    return jnp.take(E, idx.astype(jnp.int32), axis=0)

if __name__ == "__main__":
    import jax
    _d = setup_inputs()
    print(jax.jit(kernel)(*tuple(_d.values())))

</pallas_src>

<mosaic_0001>
#map = affine_map<(d0, d1) -> (0, 0)>
module attributes {stable_mosaic.version = 14 : i64} {
  func.func @emb(%arg0: i32, %arg1: i32, %arg2: memref<6400x128xi32, #tpu.memory_space<hbm>>, %arg3: memref<1000000x128xf32, #tpu.memory_space<hbm>>, %arg4: memref<819200x128xf32, #tpu.memory_space<hbm>>, %arg5: memref<200x128xi32, #tpu.memory_space<vmem>>, %arg6: memref<5x128x128xf32, #tpu.memory_space<vmem>>, %arg7: memref<5x!tpu.dma_semaphore, #tpu.memory_space<semaphore_mem>>, %arg8: memref<5x!tpu.dma_semaphore, #tpu.memory_space<semaphore_mem>>) attributes {dimension_semantics = [#tpu.dimension_semantics<core_parallel>, #tpu.dimension_semantics<subcore_parallel>], iteration_bounds = array<i64: 2, 16>, scalar_prefetch = 0 : i64, scratch_operands = 4 : i64, tpu.core_type = #tpu.core_type<sc_vector_subcore>, window_params = [{transform_indices = #map}, {transform_indices = #map}, {transform_indices = #map}]} {
    %mul3A = arith.constant 2 : i32
    %mul3A_0 = arith.muli %arg1, %mul3A : i32
    %add3A = arith.addi %mul3A_0, %arg0 : i32
    %mul3A_1 = arith.constant 200 : i32
    %mul3A_2 = arith.muli %add3A, %mul3A_1 : i32
    "tpu.region"() ({
      %run_scoped3A = tpu.sem_alloc : memref<!tpu.dma_semaphore, #tpu.memory_space<semaphore_mem>>
      %dma_start3A_151 = arith.constant 0 : i32
      %dma_start3A_152 = tpu.memref_slice %arg2[%mul3A_2, %dma_start3A_151] : memref<6400x128xi32, #tpu.memory_space<hbm>> -> memref<200x128xi32, #tpu.memory_space<hbm>>
      %dma_start3A_153 = arith.constant 0 : i32
      %dma_start3A_154 = tpu.memref_slice %arg2[%mul3A_2, %dma_start3A_153] : memref<6400x128xi32, #tpu.memory_space<hbm>> -> memref<200x128xi32, #tpu.memory_space<hbm>>
      tpu.enqueue_dma source(%dma_start3A_154 : memref<200x128xi32, #tpu.memory_space<hbm>>) target(%arg5 : memref<200x128xi32, #tpu.memory_space<vmem>>) target_semaphore(%run_scoped3A : memref<!tpu.dma_semaphore, #tpu.memory_space<semaphore_mem>>)
      %dma_wait3A_155 = arith.constant 0 : i32
      %dma_wait3A_156 = tpu.memref_slice %arg2[%mul3A_2, %dma_wait3A_155] : memref<6400x128xi32, #tpu.memory_space<hbm>> -> memref<200x128xi32, #tpu.memory_space<hbm>>
      %dma_wait3A_157 = arith.constant 0 : i32
      %dma_wait3A_158 = tpu.memref_slice %arg2[%mul3A_2, %dma_wait3A_157] : memref<6400x128xi32, #tpu.memory_space<hbm>> -> memref<200x128xi32, #tpu.memory_space<hbm>>
      tpu.wait_dma2 semaphore(%run_scoped3A : memref<!tpu.dma_semaphore, #tpu.memory_space<semaphore_mem>>) src(%dma_wait3A_158 : memref<200x128xi32, #tpu.memory_space<hbm>>) dst(%arg5 : memref<200x128xi32, #tpu.memory_space<vmem>>)
      tpu.yield
    }) : () -> ()
    %dma_start3A = arith.constant 0 : i32
    %dma_start3A_3 = arith.constant 0 : i32
    %dma_start3A_4 = arith.constant 0 : i32
    %dma_start3A_5 = arith.constant 0 : i32
    %dma_start3A_6 = arith.constant 0 : i32
    %dma_start3A_7 = tpu.memref_slice %arg6[%dma_start3A_3, %dma_start3A_5, %dma_start3A_6] : memref<5x128x128xf32, #tpu.memory_space<vmem>> -> memref<1x128x128xf32, #tpu.memory_space<vmem>>
    %dma_start3A_8 = tpu.memref_squeeze %dma_start3A_7 : memref<1x128x128xf32, #tpu.memory_space<vmem>> -> memref<128x128xf32, #tpu.memory_space<vmem>>
    %dma_start3A_9 = arith.constant 0 : i32
    %dma_start3A_10 = tpu.memref_slice %arg5[%dma_start3A, %dma_start3A_9] : memref<200x128xi32, #tpu.memory_space<vmem>> -> memref<1x128xi32, #tpu.memory_space<vmem>>
    %dma_start3A_11 = tpu.memref_squeeze %dma_start3A_10 : memref<1x128xi32, #tpu.memory_space<vmem>> -> memref<128xi32, #tpu.memory_space<vmem>>
    %dma_start3A_12 = arith.constant 0 : i32
    %dma_start3A_13 = arith.constant 0 : i32
    %dma_start3A_14 = tpu.memref_slice %arg3[%dma_start3A_12, %dma_start3A_13] : memref<1000000x128xf32, #tpu.memory_space<hbm>> -> memref<1000000x128xf32, #tpu.memory_space<hbm>>
    %dma_start3A_15 = tpu.memref_slice %arg7[%dma_start3A_4] : memref<5x!tpu.dma_semaphore, #tpu.memory_space<semaphore_mem>> -> memref<1x!tpu.dma_semaphore, #tpu.memory_space<semaphore_mem>>
    %dma_start3A_16 = tpu.memref_squeeze %dma_start3A_15 : memref<1x!tpu.dma_semaphore, #tpu.memory_space<semaphore_mem>> -> memref<!tpu.dma_semaphore, #tpu.memory_space<semaphore_mem>>
    tpu.enqueue_indirect_dma source(%dma_start3A_14 : memref<1000000x128xf32, #tpu.memory_space<hbm>>) target(%dma_start3A_8 : memref<128x128xf32, #tpu.memory_space<vmem>>) offsets(%dma_start3A_11 : memref<128xi32, #tpu.memory_space<vmem>>) semaphore(%dma_start3A_16 : memref<!tpu.dma_semaphore, #tpu.memory_space<semaphore_mem>>)
    %dma_start3A_17 = arith.constant 1 : i32
    %dma_start3A_18 = arith.constant 1 : i32
    %dma_start3A_19 = arith.constant 1 : i32
    %dma_start3A_20 = arith.constant 0 : i32
    %dma_start3A_21 = arith.constant 0 : i32
    %dma_start3A_22 = tpu.memref_slice %arg6[%dma_start3A_18, %dma_start3A_20, %dma_start3A_21] : memref<5x128x128xf32, #tpu.memory_space<vmem>> -> memref<1x128x128xf32, #tpu.memory_space<vmem>>
    %dma_start3A_23 = tpu.memref_squeeze %dma_start3A_22 : memref<1x128x128xf32, #tpu.memory_space<vmem>> -> memref<128x128xf32, #tpu.memory_space<vmem>>
    %dma_start3A_24 = arith.constant 0 : i32
    %dma_start3A_25 = tpu.memref_slice %arg5[%dma_start3A_17, %dma_start3A_24] : memref<200x128xi32, #tpu.memory_space<vmem>> -> memref<1x128xi32, #tpu.memory_space<vmem>>
    %dma_start3A_26 = tpu.memref_squeeze %dma_start3A_25 : memref<1x128xi32, #tpu.memory_space<vmem>> -> memref<128xi32, #tpu.memory_space<vmem>>
    %dma_start3A_27 = arith.constant 0 : i32
    %dma_start3A_28 = arith.constant 0 : i32
    %dma_start3A_29 = tpu.memref_slice %arg3[%dma_start3A_27, %dma_start3A_28] : memref<1000000x128xf32, #tpu.memory_space<hbm>> -> memref<1000000x128xf32, #tpu.memory_space<hbm>>
    %dma_start3A_30 = tpu.memref_slice %arg7[%dma_start3A_19] : memref<5x!tpu.dma_semaphore, #tpu.memory_space<semaphore_mem>> -> memref<1x!tpu.dma_semaphore, #tpu.memory_space<semaphore_mem>>
    %dma_start3A_31 = tpu.memref_squeeze %dma_start3A_30 : memref<1x!tpu.dma_semaphore, #tpu.memory_space<semaphore_mem>> -> memref<!tpu.dma_semaphore, #tpu.memory_space<semaphore_mem>>
    tpu.enqueue_indirect_dma source(%dma_start3A_29 : memref<1000000x128xf32, #tpu.memory_space<hbm>>) target(%dma_start3A_23 : memref<128x128xf32, #tpu.memory_space<vmem>>) offsets(%dma_start3A_26 : memref<128xi32, #tpu.memory_space<vmem>>) semaphore(%dma_start3A_31 : memref<!tpu.dma_semaphore, #tpu.memory_space<semaphore_mem>>)
    %dma_start3A_32 = arith.constant 2 : i32
    %dma_start3A_33 = arith.constant 2 : i32
    %dma_start3A_34 = arith.constant 2 : i32
    %dma_start3A_35 = arith.constant 0 : i32
    %dma_start3A_36 = arith.constant 0 : i32
    %dma_start3A_37 = tpu.memref_slice %arg6[%dma_start3A_33, %dma_start3A_35, %dma_start3A_36] : memref<5x128x128xf32, #tpu.memory_space<vmem>> -> memref<1x128x128xf32, #tpu.memory_space<vmem>>
    %dma_start3A_38 = tpu.memref_squeeze %dma_start3A_37 : memref<1x128x128xf32, #tpu.memory_space<vmem>> -> memref<128x128xf32, #tpu.memory_space<vmem>>
    %dma_start3A_39 = arith.constant 0 : i32
    %dma_start3A_40 = tpu.memref_slice %arg5[%dma_start3A_32, %dma_start3A_39] : memref<200x128xi32, #tpu.memory_space<vmem>> -> memref<1x128xi32, #tpu.memory_space<vmem>>
    %dma_start3A_41 = tpu.memref_squeeze %dma_start3A_40 : memref<1x128xi32, #tpu.memory_space<vmem>> -> memref<128xi32, #tpu.memory_space<vmem>>
    %dma_start3A_42 = arith.constant 0 : i32
    %dma_start3A_43 = arith.constant 0 : i32
    %dma_start3A_44 = tpu.memref_slice %arg3[%dma_start3A_42, %dma_start3A_43] : memref<1000000x128xf32, #tpu.memory_space<hbm>> -> memref<1000000x128xf32, #tpu.memory_space<hbm>>
    %dma_start3A_45 = tpu.memref_slice %arg7[%dma_start3A_34] : memref<5x!tpu.dma_semaphore, #tpu.memory_space<semaphore_mem>> -> memref<1x!tpu.dma_semaphore, #tpu.memory_space<semaphore_mem>>
    %dma_start3A_46 = tpu.memref_squeeze %dma_start3A_45 : memref<1x!tpu.dma_semaphore, #tpu.memory_space<semaphore_mem>> -> memref<!tpu.dma_semaphore, #tpu.memory_space<semaphore_mem>>
    tpu.enqueue_indirect_dma source(%dma_start3A_44 : memref<1000000x128xf32, #tpu.memory_space<hbm>>) target(%dma_start3A_38 : memref<128x128xf32, #tpu.memory_space<vmem>>) offsets(%dma_start3A_41 : memref<128xi32, #tpu.memory_space<vmem>>) semaphore(%dma_start3A_46 : memref<!tpu.dma_semaphore, #tpu.memory_space<semaphore_mem>>)
    %scan3A = arith.constant 0 : i32
    %scan3A_47 = arith.constant 0 : i32
    %scan3A_48 = arith.constant 40 : i32
    %scan3A_49 = arith.addi %scan3A_47, %scan3A_48 : i32
    %scan3A_50 = arith.constant 1 : i32
    scf.for %scan3A_151 = %scan3A_47 to %scan3A_49 step %scan3A_50  : i32 {
      %mul3A_152 = arith.constant 5 : i32
      %mul3A_153 = arith.muli %scan3A_151, %mul3A_152 : i32
      %add3A_154 = arith.constant 0 : i32
      %add3A_155 = arith.addi %mul3A_153, %add3A_154 : i32
      %dma_wait3A_156 = arith.constant 0 : i32
      %dma_wait3A_157 = arith.constant 0 : i32
      %dma_wait3A_158 = arith.constant 0 : i32
      %dma_wait3A_159 = arith.constant 0 : i32
      %dma_wait3A_160 = tpu.memref_slice %arg6[%dma_wait3A_156, %dma_wait3A_158, %dma_wait3A_159] : memref<5x128x128xf32, #tpu.memory_space<vmem>> -> memref<1x128x128xf32, #tpu.memory_space<vmem>>
      %dma_wait3A_161 = tpu.memref_squeeze %dma_wait3A_160 : memref<1x128x128xf32, #tpu.memory_space<vmem>> -> memref<128x128xf32, #tpu.memory_space<vmem>>
      %dma_wait3A_162 = arith.constant 0 : i32
      %dma_wait3A_163 = tpu.memref_slice %arg5[%add3A_155, %dma_wait3A_162] : memref<200x128xi32, #tpu.memory_space<vmem>> -> memref<1x128xi32, #tpu.memory_space<vmem>>
      %dma_wait3A_164 = tpu.memref_squeeze %dma_wait3A_163 : memref<1x128xi32, #tpu.memory_space<vmem>> -> memref<128xi32, #tpu.memory_space<vmem>>
      %dma_wait3A_165 = arith.constant 0 : i32
      %dma_wait3A_166 = arith.constant 0 : i32
      %dma_wait3A_167 = tpu.memref_slice %arg3[%dma_wait3A_165, %dma_wait3A_166] : memref<1000000x128xf32, #tpu.memory_space<hbm>> -> memref<1000000x128xf32, #tpu.memory_space<hbm>>
      %dma_wait3A_168 = tpu.memref_slice %arg7[%dma_wait3A_157] : memref<5x!tpu.dma_semaphore, #tpu.memory_space<semaphore_mem>> -> memref<1x!tpu.dma_semaphore, #tpu.memory_space<semaphore_mem>>
      %dma_wait3A_169 = tpu.memref_squeeze %dma_wait3A_168 : memref<1x!tpu.dma_semaphore, #tpu.memory_space<semaphore_mem>> -> memref<!tpu.dma_semaphore, #tpu.memory_space<semaphore_mem>>
      tpu.wait_indirect_dma semaphore(%dma_wait3A_169 : memref<!tpu.dma_semaphore, #tpu.memory_space<semaphore_mem>>) src(%dma_wait3A_167 : memref<1000000x128xf32, #tpu.memory_space<hbm>>) dst(%dma_wait3A_161 : memref<128x128xf32, #tpu.memory_space<vmem>>)
      %add3A_170 = arith.addi %mul3A_2, %add3A_155 : i32
      %mul3A_171 = arith.constant 128 : i32
      %mul3A_172 = arith.muli %add3A_170, %mul3A_171 : i32
      %dma_start3A_173 = arith.constant 0 : i32
      %dma_start3A_174 = arith.constant 0 : i32
      %dma_start3A_175 = arith.constant 0 : i32
      %dma_start3A_176 = arith.constant 0 : i32
      %dma_start3A_177 = tpu.memref_slice %arg6[%dma_start3A_173, %dma_start3A_175, %dma_start3A_176] : memref<5x128x128xf32, #tpu.memory_space<vmem>> -> memref<1x128x128xf32, #tpu.memory_space<vmem>>
      %dma_start3A_178 = tpu.memref_squeeze %dma_start3A_177 : memref<1x128x128xf32, #tpu.memory_space<vmem>> -> memref<128x128xf32, #tpu.memory_space<vmem>>
      %dma_start3A_179 = arith.constant 0 : i32
      %dma_start3A_180 = tpu.memref_slice %arg4[%mul3A_172, %dma_start3A_179] : memref<819200x128xf32, #tpu.memory_space<hbm>> -> memref<128x128xf32, #tpu.memory_space<hbm>>
      %dma_start3A_181 = tpu.memref_slice %arg8[%dma_start3A_174] : memref<5x!tpu.dma_semaphore, #tpu.memory_space<semaphore_mem>> -> memref<1x!tpu.dma_semaphore, #tpu.memory_space<semaphore_mem>>
      %dma_start3A_182 = tpu.memref_squeeze %dma_start3A_181 : memref<1x!tpu.dma_semaphore, #tpu.memory_space<semaphore_mem>> -> memref<!tpu.dma_semaphore, #tpu.memory_space<semaphore_mem>>
      %dma_start3A_183 = arith.constant 0 : i32
      %dma_start3A_184 = tpu.memref_slice %arg4[%mul3A_172, %dma_start3A_183] : memref<819200x128xf32, #tpu.memory_space<hbm>> -> memref<128x128xf32, #tpu.memory_space<hbm>>
      %dma_start3A_185 = arith.constant 0 : i32
      %dma_start3A_186 = arith.constant 0 : i32
      %dma_start3A_187 = tpu.memref_slice %arg6[%dma_start3A_173, %dma_start3A_185, %dma_start3A_186] : memref<5x128x128xf32, #tpu.memory_space<vmem>> -> memref<1x128x128xf32, #tpu.memory_space<vmem>>
      %dma_start3A_188 = tpu.memref_squeeze %dma_start3A_187 : memref<1x128x128xf32, #tpu.memory_space<vmem>> -> memref<128x128xf32, #tpu.memory_space<vmem>>
      tpu.enqueue_dma source(%dma_start3A_188 : memref<128x128xf32, #tpu.memory_space<vmem>>) target(%dma_start3A_184 : memref<128x128xf32, #tpu.memory_space<hbm>>) target_semaphore(%dma_start3A_182 : memref<!tpu.dma_semaphore, #tpu.memory_space<semaphore_mem>>)
      %add3A_189 = arith.constant 3 : i32
      %add3A_190 = arith.addi %add3A_155, %add3A_189 : i32
      %lt3A = arith.constant 200 : i32
      %lt3A_191 = arith.cmpi slt, %add3A_190, %lt3A : i32
      %convert_element_type3A = arith.extui %lt3A_191 : i1 to i32
      %cond3A = arith.constant 0 : i32
      %cond3A_192 = arith.cmpi ne, %convert_element_type3A, %cond3A : i32
      scf.if %cond3A_192 {
        %ge3A = arith.constant 5 : i32
        %ge3A_361 = arith.cmpi sge, %add3A_190, %ge3A : i32
        %convert_element_type3A_362 = arith.extui %ge3A_361 : i1 to i32
        %cond3A_363 = arith.constant 0 : i32
        %cond3A_364 = arith.cmpi ne, %convert_element_type3A_362, %cond3A_363 : i32
        scf.if %cond3A_364 {
          %sub3A = arith.constant 5 : i32
          %sub3A_379 = arith.subi %add3A_190, %sub3A : i32
          %add3A_380 = arith.addi %mul3A_2, %sub3A_379 : i32
          %mul3A_381 = arith.constant 128 : i32
          %mul3A_382 = arith.muli %add3A_380, %mul3A_381 : i32
          %dma_wait3A_383 = arith.constant 3 : i32
          %dma_wait3A_384 = arith.constant 3 : i32
          %dma_wait3A_385 = arith.constant 0 : i32
          %dma_wait3A_386 = arith.constant 0 : i32
          %dma_wait3A_387 = tpu.memref_slice %arg6[%dma_wait3A_383, %dma_wait3A_385, %dma_wait3A_386] : memref<5x128x128xf32, #tpu.memory_space<vmem>> -> memref<1x128x128xf32, #tpu.memory_space<vmem>>
          %dma_wait3A_388 = tpu.memref_squeeze %dma_wait3A_387 : memref<1x128x128xf32, #tpu.memory_space<vmem>> -> memref<128x128xf32, #tpu.memory_space<vmem>>
          %dma_wait3A_389 = arith.constant 0 : i32
          %dma_wait3A_390 = tpu.memref_slice %arg4[%mul3A_382, %dma_wait3A_389] : memref<819200x128xf32, #tpu.memory_space<hbm>> -> memref<128x128xf32, #tpu.memory_space<hbm>>
          %dma_wait3A_391 = tpu.memref_slice %arg8[%dma_wait3A_384] : memref<5x!tpu.dma_semaphore, #tpu.memory_space<semaphore_mem>> -> memref<1x!tpu.dma_semaphore, #tpu.memory_space<semaphore_mem>>
          %dma_wait3A_392 = tpu.memref_squeeze %dma_wait3A_391 : memref<1x!tpu.dma_semaphore, #tpu.memory_space<semaphore_mem>> -> memref<!tpu.dma_semaphore, #tpu.memory_space<semaphore_mem>>
          %dma_wait3A_393 = arith.constant 0 : i32
          %dma_wait3A_394 = tpu.memref_slice %arg4[%mul3A_382, %dma_wait3A_393] : memref<819200x128xf32, #tpu.memory_space<hbm>> -> memref<128x128xf32, #tpu.memory_space<hbm>>
          %dma_wait3A_395 = arith.constant 0 : i32
          %dma_wait3A_396 = arith.constant 0 : i32
          %dma_wait3A_397 = tpu.memref_slice %arg6[%dma_wait3A_383, %dma_wait3A_395, %dma_wait3A_396] : memref<5x128x128xf32, #tpu.memory_space<vmem>> -> memref<1x128x128xf32, #tpu.memory_space<vmem>>
          %dma_wait3A_398 = tpu.memref_squeeze %dma_wait3A_397 : memref<1x128x128xf32, #tpu.memory_space<vmem>> -> memref<128x128xf32, #tpu.memory_space<vmem>>
          tpu.wait_dma2 semaphore(%dma_wait3A_392 : memref<!tpu.dma_semaphore, #tpu.memory_space<semaphore_mem>>) src(%dma_wait3A_398 : memref<128x128xf32, #tpu.memory_space<vmem>>) dst(%dma_wait3A_394 : memref<128x128xf32, #tpu.memory_space<hbm>>)
        } else {
        }
        %dma_start3A_365 = arith.constant 3 : i32
        %dma_start3A_366 = arith.constant 3 : i32
        %dma_start3A_367 = arith.constant 0 : i32
        %dma_start3A_368 = arith.constant 0 : i32
        %dma_start3A_369 = tpu.memref_slice %arg6[%dma_start3A_365, %dma_start3A_367, %dma_start3A_368] : memref<5x128x128xf32, #tpu.memory_space<vmem>> -> memref<1x128x128xf32, #tpu.memory_space<vmem>>
        %dma_start3A_370 = tpu.memref_squeeze %dma_start3A_369 : memref<1x128x128xf32, #tpu.memory_space<vmem>> -> memref<128x128xf32, #tpu.memory_space<vmem>>
        %dma_start3A_371 = arith.constant 0 : i32
        %dma_start3A_372 = tpu.memref_slice %arg5[%add3A_190, %dma_start3A_371] : memref<200x128xi32, #tpu.memory_space<vmem>> -> memref<1x128xi32, #tpu.memory_space<vmem>>
        %dma_start3A_373 = tpu.memref_squeeze %dma_start3A_372 : memref<1x128xi32, #tpu.memory_space<vmem>> -> memref<128xi32, #tpu.memory_space<vmem>>
        %dma_start3A_374 = arith.constant 0 : i32
        %dma_start3A_375 = arith.constant 0 : i32
        %dma_start3A_376 = tpu.memref_slice %arg3[%dma_start3A_374, %dma_start3A_375] : memref<1000000x128xf32, #tpu.memory_space<hbm>> -> memref<1000000x128xf32, #tpu.memory_space<hbm>>
        %dma_start3A_377 = tpu.memref_slice %arg7[%dma_start3A_366] : memref<5x!tpu.dma_semaphore, #tpu.memory_space<semaphore_mem>> -> memref<1x!tpu.dma_semaphore, #tpu.memory_space<semaphore_mem>>
        %dma_start3A_378 = tpu.memref_squeeze %dma_start3A_377 : memref<1x!tpu.dma_semaphore, #tpu.memory_space<semaphore_mem>> -> memref<!tpu.dma_semaphore, #tpu.memory_space<semaphore_mem>>
        tpu.enqueue_indirect_dma source(%dma_start3A_376 : memref<1000000x128xf32, #tpu.memory_space<hbm>>) target(%dma_start3A_370 : memref<128x128xf32, #tpu.memory_space<vmem>>) offsets(%dma_start3A_373 : memref<128xi32, #tpu.memory_space<vmem>>) semaphore(%dma_start3A_378 : memref<!tpu.dma_semaphore, #tpu.memory_space<semaphore_mem>>)
      } else {
      }
      %add3A_193 = arith.constant 1 : i32
      %add3A_194 = arith.addi %mul3A_153, %add3A_193 : i32
      %dma_wait3A_195 = arith.constant 1 : i32
      %dma_wait3A_196 = arith.constant 1 : i32
      %dma_wait3A_197 = arith.constant 0 : i32
      %dma_wait3A_198 = arith.constant 0 : i32
      %dma_wait3A_199 = tpu.memref_slice %arg6[%dma_wait3A_195, %dma_wait3A_197, %dma_wait3A_198] : memref<5x128x128xf32, #tpu.memory_space<vmem>> -> memref<1x128x128xf32, #tpu.memory_space<vmem>>
      %dma_wait3A_200 = tpu.memref_squeeze %dma_wait3A_199 : memref<1x128x128xf32, #tpu.memory_space<vmem>> -> memref<128x128xf32, #tpu.memory_space<vmem>>
      %dma_wait3A_201 = arith.constant 0 : i32
      %dma_wait3A_202 = tpu.memref_slice %arg5[%add3A_194, %dma_wait3A_201] : memref<200x128xi32, #tpu.memory_space<vmem>> -> memref<1x128xi32, #tpu.memory_space<vmem>>
      %dma_wait3A_203 = tpu.memref_squeeze %dma_wait3A_202 : memref<1x128xi32, #tpu.memory_space<vmem>> -> memref<128xi32, #tpu.memory_space<vmem>>
      %dma_wait3A_204 = arith.constant 0 : i32
      %dma_wait3A_205 = arith.constant 0 : i32
      %dma_wait3A_206 = tpu.memref_slice %arg3[%dma_wait3A_204, %dma_wait3A_205] : memref<1000000x128xf32, #tpu.memory_space<hbm>> -> memref<1000000x128xf32, #tpu.memory_space<hbm>>
      %dma_wait3A_207 = tpu.memref_slice %arg7[%dma_wait3A_196] : memref<5x!tpu.dma_semaphore, #tpu.memory_space<semaphore_mem>> -> memref<1x!tpu.dma_semaphore, #tpu.memory_space<semaphore_mem>>
      %dma_wait3A_208 = tpu.memref_squeeze %dma_wait3A_207 : memref<1x!tpu.dma_semaphore, #tpu.memory_space<semaphore_mem>> -> memref<!tpu.dma_semaphore, #tpu.memory_space<semaphore_mem>>
      tpu.wait_indirect_dma semaphore(%dma_wait3A_208 : memref<!tpu.dma_semaphore, #tpu.memory_space<semaphore_mem>>) src(%dma_wait3A_206 : memref<1000000x128xf32, #tpu.memory_space<hbm>>) dst(%dma_wait3A_200 : memref<128x128xf32, #tpu.memory_space<vmem>>)
      %add3A_209 = arith.addi %mul3A_2, %add3A_194 : i32
      %mul3A_210 = arith.constant 128 : i32
      %mul3A_211 = arith.muli %add3A_209, %mul3A_210 : i32
      %dma_start3A_212 = arith.constant 1 : i32
      %dma_start3A_213 = arith.constant 1 : i32
      %dma_start3A_214 = arith.constant 0 : i32
      %dma_start3A_215 = arith.constant 0 : i32
      %dma_start3A_216 = tpu.memref_slice %arg6[%dma_start3A_212, %dma_start3A_214, %dma_start3A_215] : memref<5x128x128xf32, #tpu.memory_space<vmem>> -> memref<1x128x128xf32, #tpu.memory_space<vmem>>
      %dma_start3A_217 = tpu.memref_squeeze %dma_start3A_216 : memref<1x128x128xf32, #tpu.memory_space<vmem>> -> memref<128x128xf32, #tpu.memory_space<vmem>>
      %dma_start3A_218 = arith.constant 0 : i32
      %dma_start3A_219 = tpu.memref_slice %arg4[%mul3A_211, %dma_start3A_218] : memref<819200x128xf32, #tpu.memory_space<hbm>> -> memref<128x128xf32, #tpu.memory_space<hbm>>
      %dma_start3A_220 = tpu.memref_slice %arg8[%dma_start3A_213] : memref<5x!tpu.dma_semaphore, #tpu.memory_space<semaphore_mem>> -> memref<1x!tpu.dma_semaphore, #tpu.memory_space<semaphore_mem>>
      %dma_start3A_221 = tpu.memref_squeeze %dma_start3A_220 : memref<1x!tpu.dma_semaphore, #tpu.memory_space<semaphore_mem>> -> memref<!tpu.dma_semaphore, #tpu.memory_space<semaphore_mem>>
      %dma_start3A_222 = arith.constant 0 : i32
      %dma_start3A_223 = tpu.memref_slice %arg4[%mul3A_211, %dma_start3A_222] : memref<819200x128xf32, #tpu.memory_space<hbm>> -> memref<128x128xf32, #tpu.memory_space<hbm>>
      %dma_start3A_224 = arith.constant 0 : i32
      %dma_start3A_225 = arith.constant 0 : i32
      %dma_start3A_226 = tpu.memref_slice %arg6[%dma_start3A_212, %dma_start3A_224, %dma_start3A_225] : memref<5x128x128xf32, #tpu.memory_space<vmem>> -> memref<1x128x128xf32, #tpu.memory_space<vmem>>
      %dma_start3A_227 = tpu.memref_squeeze %dma_start3A_226 : memref<1x128x128xf32, #tpu.memory_space<vmem>> -> memref<128x128xf32, #tpu.memory_space<vmem>>
      tpu.enqueue_dma source(%dma_start3A_227 : memref<128x128xf32, #tpu.memory_space<vmem>>) target(%dma_start3A_223 : memref<128x128xf32, #tpu.memory_space<hbm>>) target_semaphore(%dma_start3A_221 : memref<!tpu.dma_semaphore, #tpu.memory_space<semaphore_mem>>)
      %add3A_228 = arith.constant 3 : i32
      %add3A_229 = arith.addi %add3A_194, %add3A_228 : i32
      %lt3A_230 = arith.constant 200 : i32
      %lt3A_231 = arith.cmpi slt, %add3A_229, %lt3A_230 : i32
      %convert_element_type3A_232 = arith.extui %lt3A_231 : i1 to i32
      %cond3A_233 = arith.constant 0 : i32
      %cond3A_234 = arith.cmpi ne, %convert_element_type3A_232, %cond3A_233 : i32
      scf.if %cond3A_234 {
        %ge3A = arith.constant 5 : i32
        %ge3A_361 = arith.cmpi sge, %add3A_229, %ge3A : i32
        %convert_element_type3A_362 = arith.extui %ge3A_361 : i1 to i32
        %cond3A_363 = arith.constant 0 : i32
        %cond3A_364 = arith.cmpi ne, %convert_element_type3A_362, %cond3A_363 : i32
        scf.if %cond3A_364 {
          %sub3A = arith.constant 5 : i32
          %sub3A_379 = arith.subi %add3A_229, %sub3A : i32
          %add3A_380 = arith.addi %mul3A_2, %sub3A_379 : i32
          %mul3A_381 = arith.constant 128 : i32
          %mul3A_382 = arith.muli %add3A_380, %mul3A_381 : i32
          %dma_wait3A_383 = arith.constant 4 : i32
          %dma_wait3A_384 = arith.constant 4 : i32
          %dma_wait3A_385 = arith.constant 0 : i32
          %dma_wait3A_386 = arith.constant 0 : i32
          %dma_wait3A_387 = tpu.memref_slice %arg6[%dma_wait3A_383, %dma_wait3A_385, %dma_wait3A_386] : memref<5x128x128xf32, #tpu.memory_space<vmem>> -> memref<1x128x128xf32, #tpu.memory_space<vmem>>
          %dma_wait3A_388 = tpu.memref_squeeze %dma_wait3A_387 : memref<1x128x128xf32, #tpu.memory_space<vmem>> -> memref<128x128xf32, #tpu.memory_space<vmem>>
          %dma_wait3A_389 = arith.constant 0 : i32
          %dma_wait3A_390 = tpu.memref_slice %arg4[%mul3A_382, %dma_wait3A_389] : memref<819200x128xf32, #tpu.memory_space<hbm>> -> memref<128x128xf32, #tpu.memory_space<hbm>>
          %dma_wait3A_391 = tpu.memref_slice %arg8[%dma_wait3A_384] : memref<5x!tpu.dma_semaphore, #tpu.memory_space<semaphore_mem>> -> memref<1x!tpu.dma_semaphore, #tpu.memory_space<semaphore_mem>>
          %dma_wait3A_392 = tpu.memref_squeeze %dma_wait3A_391 : memref<1x!tpu.dma_semaphore, #tpu.memory_space<semaphore_mem>> -> memref<!tpu.dma_semaphore, #tpu.memory_space<semaphore_mem>>
          %dma_wait3A_393 = arith.constant 0 : i32
          %dma_wait3A_394 = tpu.memref_slice %arg4[%mul3A_382, %dma_wait3A_393] : memref<819200x128xf32, #tpu.memory_space<hbm>> -> memref<128x128xf32, #tpu.memory_space<hbm>>
          %dma_wait3A_395 = arith.constant 0 : i32
          %dma_wait3A_396 = arith.constant 0 : i32
          %dma_wait3A_397 = tpu.memref_slice %arg6[%dma_wait3A_383, %dma_wait3A_395, %dma_wait3A_396] : memref<5x128x128xf32, #tpu.memory_space<vmem>> -> memref<1x128x128xf32, #tpu.memory_space<vmem>>
          %dma_wait3A_398 = tpu.memref_squeeze %dma_wait3A_397 : memref<1x128x128xf32, #tpu.memory_space<vmem>> -> memref<128x128xf32, #tpu.memory_space<vmem>>
          tpu.wait_dma2 semaphore(%dma_wait3A_392 : memref<!tpu.dma_semaphore, #tpu.memory_space<semaphore_mem>>) src(%dma_wait3A_398 : memref<128x128xf32, #tpu.memory_space<vmem>>) dst(%dma_wait3A_394 : memref<128x128xf32, #tpu.memory_space<hbm>>)
        } else {
        }
        %dma_start3A_365 = arith.constant 4 : i32
        %dma_start3A_366 = arith.constant 4 : i32
        %dma_start3A_367 = arith.constant 0 : i32
        %dma_start3A_368 = arith.constant 0 : i32
        %dma_start3A_369 = tpu.memref_slice %arg6[%dma_start3A_365, %dma_start3A_367, %dma_start3A_368] : memref<5x128x128xf32, #tpu.memory_space<vmem>> -> memref<1x128x128xf32, #tpu.memory_space<vmem>>
        %dma_start3A_370 = tpu.memref_squeeze %dma_start3A_369 : memref<1x128x128xf32, #tpu.memory_space<vmem>> -> memref<128x128xf32, #tpu.memory_space<vmem>>
        %dma_start3A_371 = arith.constant 0 : i32
        %dma_start3A_372 = tpu.memref_slice %arg5[%add3A_229, %dma_start3A_371] : memref<200x128xi32, #tpu.memory_space<vmem>> -> memref<1x128xi32, #tpu.memory_space<vmem>>
        %dma_start3A_373 = tpu.memref_squeeze %dma_start3A_372 : memref<1x128xi32, #tpu.memory_space<vmem>> -> memref<128xi32, #tpu.memory_space<vmem>>
        %dma_start3A_374 = arith.constant 0 : i32
        %dma_start3A_375 = arith.constant 0 : i32
        %dma_start3A_376 = tpu.memref_slice %arg3[%dma_start3A_374, %dma_start3A_375] : memref<1000000x128xf32, #tpu.memory_space<hbm>> -> memref<1000000x128xf32, #tpu.memory_space<hbm>>
        %dma_start3A_377 = tpu.memref_slice %arg7[%dma_start3A_366] : memref<5x!tpu.dma_semaphore, #tpu.memory_space<semaphore_mem>> -> memref<1x!tpu.dma_semaphore, #tpu.memory_space<semaphore_mem>>
        %dma_start3A_378 = tpu.memref_squeeze %dma_start3A_377 : memref<1x!tpu.dma_semaphore, #tpu.memory_space<semaphore_mem>> -> memref<!tpu.dma_semaphore, #tpu.memory_space<semaphore_mem>>
        tpu.enqueue_indirect_dma source(%dma_start3A_376 : memref<1000000x128xf32, #tpu.memory_space<hbm>>) target(%dma_start3A_370 : memref<128x128xf32, #tpu.memory_space<vmem>>) offsets(%dma_start3A_373 : memref<128xi32, #tpu.memory_space<vmem>>) semaphore(%dma_start3A_378 : memref<!tpu.dma_semaphore, #tpu.memory_space<semaphore_mem>>)
      } else {
      }
      %add3A_235 = arith.constant 2 : i32
      %add3A_236 = arith.addi %mul3A_153, %add3A_235 : i32
      %dma_wait3A_237 = arith.constant 2 : i32
      %dma_wait3A_238 = arith.constant 2 : i32
      %dma_wait3A_239 = arith.constant 0 : i32
      %dma_wait3A_240 = arith.constant 0 : i32
      %dma_wait3A_241 = tpu.memref_slice %arg6[%dma_wait3A_237, %dma_wait3A_239, %dma_wait3A_240] : memref<5x128x128xf32, #tpu.memory_space<vmem>> -> memref<1x128x128xf32, #tpu.memory_space<vmem>>
      %dma_wait3A_242 = tpu.memref_squeeze %dma_wait3A_241 : memref<1x128x128xf32, #tpu.memory_space<vmem>> -> memref<128x128xf32, #tpu.memory_space<vmem>>
      %dma_wait3A_243 = arith.constant 0 : i32
      %dma_wait3A_244 = tpu.memref_slice %arg5[%add3A_236, %dma_wait3A_243] : memref<200x128xi32, #tpu.memory_space<vmem>> -> memref<1x128xi32, #tpu.memory_space<vmem>>
      %dma_wait3A_245 = tpu.memref_squeeze %dma_wait3A_244 : memref<1x128xi32, #tpu.memory_space<vmem>> -> memref<128xi32, #tpu.memory_space<vmem>>
      %dma_wait3A_246 = arith.constant 0 : i32
      %dma_wait3A_247 = arith.constant 0 : i32
      %dma_wait3A_248 = tpu.memref_slice %arg3[%dma_wait3A_246, %dma_wait3A_247] : memref<1000000x128xf32, #tpu.memory_space<hbm>> -> memref<1000000x128xf32, #tpu.memory_space<hbm>>
      %dma_wait3A_249 = tpu.memref_slice %arg7[%dma_wait3A_238] : memref<5x!tpu.dma_semaphore, #tpu.memory_space<semaphore_mem>> -> memref<1x!tpu.dma_semaphore, #tpu.memory_space<semaphore_mem>>
      %dma_wait3A_250 = tpu.memref_squeeze %dma_wait3A_249 : memref<1x!tpu.dma_semaphore, #tpu.memory_space<semaphore_mem>> -> memref<!tpu.dma_semaphore, #tpu.memory_space<semaphore_mem>>
      tpu.wait_indirect_dma semaphore(%dma_wait3A_250 : memref<!tpu.dma_semaphore, #tpu.memory_space<semaphore_mem>>) src(%dma_wait3A_248 : memref<1000000x128xf32, #tpu.memory_space<hbm>>) dst(%dma_wait3A_242 : memref<128x128xf32, #tpu.memory_space<vmem>>)
      %add3A_251 = arith.addi %mul3A_2, %add3A_236 : i32
      %mul3A_252 = arith.constant 128 : i32
      %mul3A_253 = arith.muli %add3A_251, %mul3A_252 : i32
      %dma_start3A_254 = arith.constant 2 : i32
      %dma_start3A_255 = arith.constant 2 : i32
      %dma_start3A_256 = arith.constant 0 : i32
      %dma_start3A_257 = arith.constant 0 : i32
      %dma_start3A_258 = tpu.memref_slice %arg6[%dma_start3A_254, %dma_start3A_256, %dma_start3A_257] : memref<5x128x128xf32, #tpu.memory_space<vmem>> -> memref<1x128x128xf32, #tpu.memory_space<vmem>>
      %dma_start3A_259 = tpu.memref_squeeze %dma_start3A_258 : memref<1x128x128xf32, #tpu.memory_space<vmem>> -> memref<128x128xf32, #tpu.memory_space<vmem>>
      %dma_start3A_260 = arith.constant 0 : i32
      %dma_start3A_261 = tpu.memref_slice %arg4[%mul3A_253, %dma_start3A_260] : memref<819200x128xf32, #tpu.memory_space<hbm>> -> memref<128x128xf32, #tpu.memory_space<hbm>>
      %dma_start3A_262 = tpu.memref_slice %arg8[%dma_start3A_255] : memref<5x!tpu.dma_semaphore, #tpu.memory_space<semaphore_mem>> -> memref<1x!tpu.dma_semaphore, #tpu.memory_space<semaphore_mem>>
      %dma_start3A_263 = tpu.memref_squeeze %dma_start3A_262 : memref<1x!tpu.dma_semaphore, #tpu.memory_space<semaphore_mem>> -> memref<!tpu.dma_semaphore, #tpu.memory_space<semaphore_mem>>
      %dma_start3A_264 = arith.constant 0 : i32
      %dma_start3A_265 = tpu.memref_slice %arg4[%mul3A_253, %dma_start3A_264] : memref<819200x128xf32, #tpu.memory_space<hbm>> -> memref<128x128xf32, #tpu.memory_space<hbm>>
      %dma_start3A_266 = arith.constant 0 : i32
      %dma_start3A_267 = arith.constant 0 : i32
      %dma_start3A_268 = tpu.memref_slice %arg6[%dma_start3A_254, %dma_start3A_266, %dma_start3A_267] : memref<5x128x128xf32, #tpu.memory_space<vmem>> -> memref<1x128x128xf32, #tpu.memory_space<vmem>>
      %dma_start3A_269 = tpu.memref_squeeze %dma_start3A_268 : memref<1x128x128xf32, #tpu.memory_space<vmem>> -> memref<128x128xf32, #tpu.memory_space<vmem>>
      tpu.enqueue_dma source(%dma_start3A_269 : memref<128x128xf32, #tpu.memory_space<vmem>>) target(%dma_start3A_265 : memref<128x128xf32, #tpu.memory_space<hbm>>) target_semaphore(%dma_start3A_263 : memref<!tpu.dma_semaphore, #tpu.memory_space<semaphore_mem>>)
      %add3A_270 = arith.constant 3 : i32
      %add3A_271 = arith.addi %add3A_236, %add3A_270 : i32
      %lt3A_272 = arith.constant 200 : i32
      %lt3A_273 = arith.cmpi slt, %add3A_271, %lt3A_272 : i32
      %convert_element_type3A_274 = arith.extui %lt3A_273 : i1 to i32
      %cond3A_275 = arith.constant 0 : i32
      %cond3A_276 = arith.cmpi ne, %convert_element_type3A_274, %cond3A_275 : i32
      scf.if %cond3A_276 {
        %ge3A = arith.constant 5 : i32
        %ge3A_361 = arith.cmpi sge, %add3A_271, %ge3A : i32
        %convert_element_type3A_362 = arith.extui %ge3A_361 : i1 to i32
        %cond3A_363 = arith.constant 0 : i32
        %cond3A_364 = arith.cmpi ne, %convert_element_type3A_362, %cond3A_363 : i32
        scf.if %cond3A_364 {
          %sub3A = arith.constant 5 : i32
          %sub3A_379 = arith.subi %add3A_271, %sub3A : i32
          %add3A_380 = arith.addi %mul3A_2, %sub3A_379 : i32
          %mul3A_381 = arith.constant 128 : i32
          %mul3A_382 = arith.muli %add3A_380, %mul3A_381 : i32
          %dma_wait3A_383 = arith.constant 0 : i32
          %dma_wait3A_384 = arith.constant 0 : i32
          %dma_wait3A_385 = arith.constant 0 : i32
          %dma_wait3A_386 = arith.constant 0 : i32
          %dma_wait3A_387 = tpu.memref_slice %arg6[%dma_wait3A_383, %dma_wait3A_385, %dma_wait3A_386] : memref<5x128x128xf32, #tpu.memory_space<vmem>> -> memref<1x128x128xf32, #tpu.memory_space<vmem>>
          %dma_wait3A_388 = tpu.memref_squeeze %dma_wait3A_387 : memref<1x128x128xf32, #tpu.memory_space<vmem>> -> memref<128x128xf32, #tpu.memory_space<vmem>>
          %dma_wait3A_389 = arith.constant 0 : i32
          %dma_wait3A_390 = tpu.memref_slice %arg4[%mul3A_382, %dma_wait3A_389] : memref<819200x128xf32, #tpu.memory_space<hbm>> -> memref<128x128xf32, #tpu.memory_space<hbm>>
          %dma_wait3A_391 = tpu.memref_slice %arg8[%dma_wait3A_384] : memref<5x!tpu.dma_semaphore, #tpu.memory_space<semaphore_mem>> -> memref<1x!tpu.dma_semaphore, #tpu.memory_space<semaphore_mem>>
          %dma_wait3A_392 = tpu.memref_squeeze %dma_wait3A_391 : memref<1x!tpu.dma_semaphore, #tpu.memory_space<semaphore_mem>> -> memref<!tpu.dma_semaphore, #tpu.memory_space<semaphore_mem>>
          %dma_wait3A_393 = arith.constant 0 : i32
          %dma_wait3A_394 = tpu.memref_slice %arg4[%mul3A_382, %dma_wait3A_393] : memref<819200x128xf32, #tpu.memory_space<hbm>> -> memref<128x128xf32, #tpu.memory_space<hbm>>
          %dma_wait3A_395 = arith.constant 0 : i32
          %dma_wait3A_396 = arith.constant 0 : i32
          %dma_wait3A_397 = tpu.memref_slice %arg6[%dma_wait3A_383, %dma_wait3A_395, %dma_wait3A_396] : memref<5x128x128xf32, #tpu.memory_space<vmem>> -> memref<1x128x128xf32, #tpu.memory_space<vmem>>
          %dma_wait3A_398 = tpu.memref_squeeze %dma_wait3A_397 : memref<1x128x128xf32, #tpu.memory_space<vmem>> -> memref<128x128xf32, #tpu.memory_space<vmem>>
          tpu.wait_dma2 semaphore(%dma_wait3A_392 : memref<!tpu.dma_semaphore, #tpu.memory_space<semaphore_mem>>) src(%dma_wait3A_398 : memref<128x128xf32, #tpu.memory_space<vmem>>) dst(%dma_wait3A_394 : memref<128x128xf32, #tpu.memory_space<hbm>>)
        } else {
        }
        %dma_start3A_365 = arith.constant 0 : i32
        %dma_start3A_366 = arith.constant 0 : i32
        %dma_start3A_367 = arith.constant 0 : i32
        %dma_start3A_368 = arith.constant 0 : i32
        %dma_start3A_369 = tpu.memref_slice %arg6[%dma_start3A_365, %dma_start3A_367, %dma_start3A_368] : memref<5x128x128xf32, #tpu.memory_space<vmem>> -> memref<1x128x128xf32, #tpu.memory_space<vmem>>
        %dma_start3A_370 = tpu.memref_squeeze %dma_start3A_369 : memref<1x128x128xf32, #tpu.memory_space<vmem>> -> memref<128x128xf32, #tpu.memory_space<vmem>>
        %dma_start3A_371 = arith.constant 0 : i32
        %dma_start3A_372 = tpu.memref_slice %arg5[%add3A_271, %dma_start3A_371] : memref<200x128xi32, #tpu.memory_space<vmem>> -> memref<1x128xi32, #tpu.memory_space<vmem>>
        %dma_start3A_373 = tpu.memref_squeeze %dma_start3A_372 : memref<1x128xi32, #tpu.memory_space<vmem>> -> memref<128xi32, #tpu.memory_space<vmem>>
        %dma_start3A_374 = arith.constant 0 : i32
        %dma_start3A_375 = arith.constant 0 : i32
        %dma_start3A_376 = tpu.memref_slice %arg3[%dma_start3A_374, %dma_start3A_375] : memref<1000000x128xf32, #tpu.memory_space<hbm>> -> memref<1000000x128xf32, #tpu.memory_space<hbm>>
        %dma_start3A_377 = tpu.memref_slice %arg7[%dma_start3A_366] : memref<5x!tpu.dma_semaphore, #tpu.memory_space<semaphore_mem>> -> memref<1x!tpu.dma_semaphore, #tpu.memory_space<semaphore_mem>>
        %dma_start3A_378 = tpu.memref_squeeze %dma_start3A_377 : memref<1x!tpu.dma_semaphore, #tpu.memory_space<semaphore_mem>> -> memref<!tpu.dma_semaphore, #tpu.memory_space<semaphore_mem>>
        tpu.enqueue_indirect_dma source(%dma_start3A_376 : memref<1000000x128xf32, #tpu.memory_space<hbm>>) target(%dma_start3A_370 : memref<128x128xf32, #tpu.memory_space<vmem>>) offsets(%dma_start3A_373 : memref<128xi32, #tpu.memory_space<vmem>>) semaphore(%dma_start3A_378 : memref<!tpu.dma_semaphore, #tpu.memory_space<semaphore_mem>>)
      } else {
      }
      %add3A_277 = arith.constant 3 : i32
      %add3A_278 = arith.addi %mul3A_153, %add3A_277 : i32
      %dma_wait3A_279 = arith.constant 3 : i32
      %dma_wait3A_280 = arith.constant 3 : i32
      %dma_wait3A_281 = arith.constant 0 : i32
      %dma_wait3A_282 = arith.constant 0 : i32
      %dma_wait3A_283 = tpu.memref_slice %arg6[%dma_wait3A_279, %dma_wait3A_281, %dma_wait3A_282] : memref<5x128x128xf32, #tpu.memory_space<vmem>> -> memref<1x128x128xf32, #tpu.memory_space<vmem>>
      %dma_wait3A_284 = tpu.memref_squeeze %dma_wait3A_283 : memref<1x128x128xf32, #tpu.memory_space<vmem>> -> memref<128x128xf32, #tpu.memory_space<vmem>>
      %dma_wait3A_285 = arith.constant 0 : i32
      %dma_wait3A_286 = tpu.memref_slice %arg5[%add3A_278, %dma_wait3A_285] : memref<200x128xi32, #tpu.memory_space<vmem>> -> memref<1x128xi32, #tpu.memory_space<vmem>>
      %dma_wait3A_287 = tpu.memref_squeeze %dma_wait3A_286 : memref<1x128xi32, #tpu.memory_space<vmem>> -> memref<128xi32, #tpu.memory_space<vmem>>
      %dma_wait3A_288 = arith.constant 0 : i32
      %dma_wait3A_289 = arith.constant 0 : i32
      %dma_wait3A_290 = tpu.memref_slice %arg3[%dma_wait3A_288, %dma_wait3A_289] : memref<1000000x128xf32, #tpu.memory_space<hbm>> -> memref<1000000x128xf32, #tpu.memory_space<hbm>>
      %dma_wait3A_291 = tpu.memref_slice %arg7[%dma_wait3A_280] : memref<5x!tpu.dma_semaphore, #tpu.memory_space<semaphore_mem>> -> memref<1x!tpu.dma_semaphore, #tpu.memory_space<semaphore_mem>>
      %dma_wait3A_292 = tpu.memref_squeeze %dma_wait3A_291 : memref<1x!tpu.dma_semaphore, #tpu.memory_space<semaphore_mem>> -> memref<!tpu.dma_semaphore, #tpu.memory_space<semaphore_mem>>
      tpu.wait_indirect_dma semaphore(%dma_wait3A_292 : memref<!tpu.dma_semaphore, #tpu.memory_space<semaphore_mem>>) src(%dma_wait3A_290 : memref<1000000x128xf32, #tpu.memory_space<hbm>>) dst(%dma_wait3A_284 : memref<128x128xf32, #tpu.memory_space<vmem>>)
      %add3A_293 = arith.addi %mul3A_2, %add3A_278 : i32
      %mul3A_294 = arith.constant 128 : i32
      %mul3A_295 = arith.muli %add3A_293, %mul3A_294 : i32
      %dma_start3A_296 = arith.constant 3 : i32
      %dma_start3A_297 = arith.constant 3 : i32
      %dma_start3A_298 = arith.constant 0 : i32
      %dma_start3A_299 = arith.constant 0 : i32
      %dma_start3A_300 = tpu.memref_slice %arg6[%dma_start3A_296, %dma_start3A_298, %dma_start3A_299] : memref<5x128x128xf32, #tpu.memory_space<vmem>> -> memref<1x128x128xf32, #tpu.memory_space<vmem>>
      %dma_start3A_301 = tpu.memref_squeeze %dma_start3A_300 : memref<1x128x128xf32, #tpu.memory_space<vmem>> -> memref<128x128xf32, #tpu.memory_space<vmem>>
      %dma_start3A_302 = arith.constant 0 : i32
      %dma_start3A_303 = tpu.memref_slice %arg4[%mul3A_295, %dma_start3A_302] : memref<819200x128xf32, #tpu.memory_space<hbm>> -> memref<128x128xf32, #tpu.memory_space<hbm>>
      %dma_start3A_304 = tpu.memref_slice %arg8[%dma_start3A_297] : memref<5x!tpu.dma_semaphore, #tpu.memory_space<semaphore_mem>> -> memref<1x!tpu.dma_semaphore, #tpu.memory_space<semaphore_mem>>
      %dma_start3A_305 = tpu.memref_squeeze %dma_start3A_304 : memref<1x!tpu.dma_semaphore, #tpu.memory_space<semaphore_mem>> -> memref<!tpu.dma_semaphore, #tpu.memory_space<semaphore_mem>>
      %dma_start3A_306 = arith.constant 0 : i32
      %dma_start3A_307 = tpu.memref_slice %arg4[%mul3A_295, %dma_start3A_306] : memref<819200x128xf32, #tpu.memory_space<hbm>> -> memref<128x128xf32, #tpu.memory_space<hbm>>
      %dma_start3A_308 = arith.constant 0 : i32
      %dma_start3A_309 = arith.constant 0 : i32
      %dma_start3A_310 = tpu.memref_slice %arg6[%dma_start3A_296, %dma_start3A_308, %dma_start3A_309] : memref<5x128x128xf32, #tpu.memory_space<vmem>> -> memref<1x128x128xf32, #tpu.memory_space<vmem>>
      %dma_start3A_311 = tpu.memref_squeeze %dma_start3A_310 : memref<1x128x128xf32, #tpu.memory_space<vmem>> -> memref<128x128xf32, #tpu.memory_space<vmem>>
      tpu.enqueue_dma source(%dma_start3A_311 : memref<128x128xf32, #tpu.memory_space<vmem>>) target(%dma_start3A_307 : memref<128x128xf32, #tpu.memory_space<hbm>>) target_semaphore(%dma_start3A_305 : memref<!tpu.dma_semaphore, #tpu.memory_space<semaphore_mem>>)
      %add3A_312 = arith.constant 3 : i32
      %add3A_313 = arith.addi %add3A_278, %add3A_312 : i32
      %lt3A_314 = arith.constant 200 : i32
      %lt3A_315 = arith.cmpi slt, %add3A_313, %lt3A_314 : i32
      %convert_element_type3A_316 = arith.extui %lt3A_315 : i1 to i32
      %cond3A_317 = arith.constant 0 : i32
      %cond3A_318 = arith.cmpi ne, %convert_element_type3A_316, %cond3A_317 : i32
      scf.if %cond3A_318 {
        %ge3A = arith.constant 5 : i32
        %ge3A_361 = arith.cmpi sge, %add3A_313, %ge3A : i32
        %convert_element_type3A_362 = arith.extui %ge3A_361 : i1 to i32
        %cond3A_363 = arith.constant 0 : i32
        %cond3A_364 = arith.cmpi ne, %convert_element_type3A_362, %cond3A_363 : i32
        scf.if %cond3A_364 {
          %sub3A = arith.constant 5 : i32
          %sub3A_379 = arith.subi %add3A_313, %sub3A : i32
          %add3A_380 = arith.addi %mul3A_2, %sub3A_379 : i32
          %mul3A_381 = arith.constant 128 : i32
          %mul3A_382 = arith.muli %add3A_380, %mul3A_381 : i32
          %dma_wait3A_383 = arith.constant 1 : i32
          %dma_wait3A_384 = arith.constant 1 : i32
          %dma_wait3A_385 = arith.constant 0 : i32
          %dma_wait3A_386 = arith.constant 0 : i32
          %dma_wait3A_387 = tpu.memref_slice %arg6[%dma_wait3A_383, %dma_wait3A_385, %dma_wait3A_386] : memref<5x128x128xf32, #tpu.memory_space<vmem>> -> memref<1x128x128xf32, #tpu.memory_space<vmem>>
          %dma_wait3A_388 = tpu.memref_squeeze %dma_wait3A_387 : memref<1x128x128xf32, #tpu.memory_space<vmem>> -> memref<128x128xf32, #tpu.memory_space<vmem>>
          %dma_wait3A_389 = arith.constant 0 : i32
          %dma_wait3A_390 = tpu.memref_slice %arg4[%mul3A_382, %dma_wait3A_389] : memref<819200x128xf32, #tpu.memory_space<hbm>> -> memref<128x128xf32, #tpu.memory_space<hbm>>
          %dma_wait3A_391 = tpu.memref_slice %arg8[%dma_wait3A_384] : memref<5x!tpu.dma_semaphore, #tpu.memory_space<semaphore_mem>> -> memref<1x!tpu.dma_semaphore, #tpu.memory_space<semaphore_mem>>
          %dma_wait3A_392 = tpu.memref_squeeze %dma_wait3A_391 : memref<1x!tpu.dma_semaphore, #tpu.memory_space<semaphore_mem>> -> memref<!tpu.dma_semaphore, #tpu.memory_space<semaphore_mem>>
          %dma_wait3A_393 = arith.constant 0 : i32
          %dma_wait3A_394 = tpu.memref_slice %arg4[%mul3A_382, %dma_wait3A_393] : memref<819200x128xf32, #tpu.memory_space<hbm>> -> memref<128x128xf32, #tpu.memory_space<hbm>>
          %dma_wait3A_395 = arith.constant 0 : i32
          %dma_wait3A_396 = arith.constant 0 : i32
          %dma_wait3A_397 = tpu.memref_slice %arg6[%dma_wait3A_383, %dma_wait3A_395, %dma_wait3A_396] : memref<5x128x128xf32, #tpu.memory_space<vmem>> -> memref<1x128x128xf32, #tpu.memory_space<vmem>>
          %dma_wait3A_398 = tpu.memref_squeeze %dma_wait3A_397 : memref<1x128x128xf32, #tpu.memory_space<vmem>> -> memref<128x128xf32, #tpu.memory_space<vmem>>
          tpu.wait_dma2 semaphore(%dma_wait3A_392 : memref<!tpu.dma_semaphore, #tpu.memory_space<semaphore_mem>>) src(%dma_wait3A_398 : memref<128x128xf32, #tpu.memory_space<vmem>>) dst(%dma_wait3A_394 : memref<128x128xf32, #tpu.memory_space<hbm>>)
        } else {
        }
        %dma_start3A_365 = arith.constant 1 : i32
        %dma_start3A_366 = arith.constant 1 : i32
        %dma_start3A_367 = arith.constant 0 : i32
        %dma_start3A_368 = arith.constant 0 : i32
        %dma_start3A_369 = tpu.memref_slice %arg6[%dma_start3A_365, %dma_start3A_367, %dma_start3A_368] : memref<5x128x128xf32, #tpu.memory_space<vmem>> -> memref<1x128x128xf32, #tpu.memory_space<vmem>>
        %dma_start3A_370 = tpu.memref_squeeze %dma_start3A_369 : memref<1x128x128xf32, #tpu.memory_space<vmem>> -> memref<128x128xf32, #tpu.memory_space<vmem>>
        %dma_start3A_371 = arith.constant 0 : i32
        %dma_start3A_372 = tpu.memref_slice %arg5[%add3A_313, %dma_start3A_371] : memref<200x128xi32, #tpu.memory_space<vmem>> -> memref<1x128xi32, #tpu.memory_space<vmem>>
        %dma_start3A_373 = tpu.memref_squeeze %dma_start3A_372 : memref<1x128xi32, #tpu.memory_space<vmem>> -> memref<128xi32, #tpu.memory_space<vmem>>
        %dma_start3A_374 = arith.constant 0 : i32
        %dma_start3A_375 = arith.constant 0 : i32
        %dma_start3A_376 = tpu.memref_slice %arg3[%dma_start3A_374, %dma_start3A_375] : memref<1000000x128xf32, #tpu.memory_space<hbm>> -> memref<1000000x128xf32, #tpu.memory_space<hbm>>
        %dma_start3A_377 = tpu.memref_slice %arg7[%dma_start3A_366] : memref<5x!tpu.dma_semaphore, #tpu.memory_space<semaphore_mem>> -> memref<1x!tpu.dma_semaphore, #tpu.memory_space<semaphore_mem>>
        %dma_start3A_378 = tpu.memref_squeeze %dma_start3A_377 : memref<1x!tpu.dma_semaphore, #tpu.memory_space<semaphore_mem>> -> memref<!tpu.dma_semaphore, #tpu.memory_space<semaphore_mem>>
        tpu.enqueue_indirect_dma source(%dma_start3A_376 : memref<1000000x128xf32, #tpu.memory_space<hbm>>) target(%dma_start3A_370 : memref<128x128xf32, #tpu.memory_space<vmem>>) offsets(%dma_start3A_373 : memref<128xi32, #tpu.memory_space<vmem>>) semaphore(%dma_start3A_378 : memref<!tpu.dma_semaphore, #tpu.memory_space<semaphore_mem>>)
      } else {
      }
      %add3A_319 = arith.constant 4 : i32
      %add3A_320 = arith.addi %mul3A_153, %add3A_319 : i32
      %dma_wait3A_321 = arith.constant 4 : i32
      %dma_wait3A_322 = arith.constant 4 : i32
      %dma_wait3A_323 = arith.constant 0 : i32
      %dma_wait3A_324 = arith.constant 0 : i32
      %dma_wait3A_325 = tpu.memref_slice %arg6[%dma_wait3A_321, %dma_wait3A_323, %dma_wait3A_324] : memref<5x128x128xf32, #tpu.memory_space<vmem>> -> memref<1x128x128xf32, #tpu.memory_space<vmem>>
      %dma_wait3A_326 = tpu.memref_squeeze %dma_wait3A_325 : memref<1x128x128xf32, #tpu.memory_space<vmem>> -> memref<128x128xf32, #tpu.memory_space<vmem>>
      %dma_wait3A_327 = arith.constant 0 : i32
      %dma_wait3A_328 = tpu.memref_slice %arg5[%add3A_320, %dma_wait3A_327] : memref<200x128xi32, #tpu.memory_space<vmem>> -> memref<1x128xi32, #tpu.memory_space<vmem>>
      %dma_wait3A_329 = tpu.memref_squeeze %dma_wait3A_328 : memref<1x128xi32, #tpu.memory_space<vmem>> -> memref<128xi32, #tpu.memory_space<vmem>>
      %dma_wait3A_330 = arith.constant 0 : i32
      %dma_wait3A_331 = arith.constant 0 : i32
      %dma_wait3A_332 = tpu.memref_slice %arg3[%dma_wait3A_330, %dma_wait3A_331] : memref<1000000x128xf32, #tpu.memory_space<hbm>> -> memref<1000000x128xf32, #tpu.memory_space<hbm>>
      %dma_wait3A_333 = tpu.memref_slice %arg7[%dma_wait3A_322] : memref<5x!tpu.dma_semaphore, #tpu.memory_space<semaphore_mem>> -> memref<1x!tpu.dma_semaphore, #tpu.memory_space<semaphore_mem>>
      %dma_wait3A_334 = tpu.memref_squeeze %dma_wait3A_333 : memref<1x!tpu.dma_semaphore, #tpu.memory_space<semaphore_mem>> -> memref<!tpu.dma_semaphore, #tpu.memory_space<semaphore_mem>>
      tpu.wait_indirect_dma semaphore(%dma_wait3A_334 : memref<!tpu.dma_semaphore, #tpu.memory_space<semaphore_mem>>) src(%dma_wait3A_332 : memref<1000000x128xf32, #tpu.memory_space<hbm>>) dst(%dma_wait3A_326 : memref<128x128xf32, #tpu.memory_space<vmem>>)
      %add3A_335 = arith.addi %mul3A_2, %add3A_320 : i32
      %mul3A_336 = arith.constant 128 : i32
      %mul3A_337 = arith.muli %add3A_335, %mul3A_336 : i32
      %dma_start3A_338 = arith.constant 4 : i32
      %dma_start3A_339 = arith.constant 4 : i32
      %dma_start3A_340 = arith.constant 0 : i32
      %dma_start3A_341 = arith.constant 0 : i32
      %dma_start3A_342 = tpu.memref_slice %arg6[%dma_start3A_338, %dma_start3A_340, %dma_start3A_341] : memref<5x128x128xf32, #tpu.memory_space<vmem>> -> memref<1x128x128xf32, #tpu.memory_space<vmem>>
      %dma_start3A_343 = tpu.memref_squeeze %dma_start3A_342 : memref<1x128x128xf32, #tpu.memory_space<vmem>> -> memref<128x128xf32, #tpu.memory_space<vmem>>
      %dma_start3A_344 = arith.constant 0 : i32
      %dma_start3A_345 = tpu.memref_slice %arg4[%mul3A_337, %dma_start3A_344] : memref<819200x128xf32, #tpu.memory_space<hbm>> -> memref<128x128xf32, #tpu.memory_space<hbm>>
      %dma_start3A_346 = tpu.memref_slice %arg8[%dma_start3A_339] : memref<5x!tpu.dma_semaphore, #tpu.memory_space<semaphore_mem>> -> memref<1x!tpu.dma_semaphore, #tpu.memory_space<semaphore_mem>>
      %dma_start3A_347 = tpu.memref_squeeze %dma_start3A_346 : memref<1x!tpu.dma_semaphore, #tpu.memory_space<semaphore_mem>> -> memref<!tpu.dma_semaphore, #tpu.memory_space<semaphore_mem>>
      %dma_start3A_348 = arith.constant 0 : i32
      %dma_start3A_349 = tpu.memref_slice %arg4[%mul3A_337, %dma_start3A_348] : memref<819200x128xf32, #tpu.memory_space<hbm>> -> memref<128x128xf32, #tpu.memory_space<hbm>>
      %dma_start3A_350 = arith.constant 0 : i32
      %dma_start3A_351 = arith.constant 0 : i32
      %dma_start3A_352 = tpu.memref_slice %arg6[%dma_start3A_338, %dma_start3A_350, %dma_start3A_351] : memref<5x128x128xf32, #tpu.memory_space<vmem>> -> memref<1x128x128xf32, #tpu.memory_space<vmem>>
      %dma_start3A_353 = tpu.memref_squeeze %dma_start3A_352 : memref<1x128x128xf32, #tpu.memory_space<vmem>> -> memref<128x128xf32, #tpu.memory_space<vmem>>
      tpu.enqueue_dma source(%dma_start3A_353 : memref<128x128xf32, #tpu.memory_space<vmem>>) target(%dma_start3A_349 : memref<128x128xf32, #tpu.memory_space<hbm>>) target_semaphore(%dma_start3A_347 : memref<!tpu.dma_semaphore, #tpu.memory_space<semaphore_mem>>)
      %add3A_354 = arith.constant 3 : i32
      %add3A_355 = arith.addi %add3A_320, %add3A_354 : i32
      %lt3A_356 = arith.constant 200 : i32
      %lt3A_357 = arith.cmpi slt, %add3A_355, %lt3A_356 : i32
      %convert_element_type3A_358 = arith.extui %lt3A_357 : i1 to i32
      %cond3A_359 = arith.constant 0 : i32
      %cond3A_360 = arith.cmpi ne, %convert_element_type3A_358, %cond3A_359 : i32
      scf.if %cond3A_360 {
        %ge3A = arith.constant 5 : i32
        %ge3A_361 = arith.cmpi sge, %add3A_355, %ge3A : i32
        %convert_element_type3A_362 = arith.extui %ge3A_361 : i1 to i32
        %cond3A_363 = arith.constant 0 : i32
        %cond3A_364 = arith.cmpi ne, %convert_element_type3A_362, %cond3A_363 : i32
        scf.if %cond3A_364 {
          %sub3A = arith.constant 5 : i32
          %sub3A_379 = arith.subi %add3A_355, %sub3A : i32
          %add3A_380 = arith.addi %mul3A_2, %sub3A_379 : i32
          %mul3A_381 = arith.constant 128 : i32
          %mul3A_382 = arith.muli %add3A_380, %mul3A_381 : i32
          %dma_wait3A_383 = arith.constant 2 : i32
          %dma_wait3A_384 = arith.constant 2 : i32
          %dma_wait3A_385 = arith.constant 0 : i32
          %dma_wait3A_386 = arith.constant 0 : i32
          %dma_wait3A_387 = tpu.memref_slice %arg6[%dma_wait3A_383, %dma_wait3A_385, %dma_wait3A_386] : memref<5x128x128xf32, #tpu.memory_space<vmem>> -> memref<1x128x128xf32, #tpu.memory_space<vmem>>
          %dma_wait3A_388 = tpu.memref_squeeze %dma_wait3A_387 : memref<1x128x128xf32, #tpu.memory_space<vmem>> -> memref<128x128xf32, #tpu.memory_space<vmem>>
          %dma_wait3A_389 = arith.constant 0 : i32
          %dma_wait3A_390 = tpu.memref_slice %arg4[%mul3A_382, %dma_wait3A_389] : memref<819200x128xf32, #tpu.memory_space<hbm>> -> memref<128x128xf32, #tpu.memory_space<hbm>>
          %dma_wait3A_391 = tpu.memref_slice %arg8[%dma_wait3A_384] : memref<5x!tpu.dma_semaphore, #tpu.memory_space<semaphore_mem>> -> memref<1x!tpu.dma_semaphore, #tpu.memory_space<semaphore_mem>>
          %dma_wait3A_392 = tpu.memref_squeeze %dma_wait3A_391 : memref<1x!tpu.dma_semaphore, #tpu.memory_space<semaphore_mem>> -> memref<!tpu.dma_semaphore, #tpu.memory_space<semaphore_mem>>
          %dma_wait3A_393 = arith.constant 0 : i32
          %dma_wait3A_394 = tpu.memref_slice %arg4[%mul3A_382, %dma_wait3A_393] : memref<819200x128xf32, #tpu.memory_space<hbm>> -> memref<128x128xf32, #tpu.memory_space<hbm>>
          %dma_wait3A_395 = arith.constant 0 : i32
          %dma_wait3A_396 = arith.constant 0 : i32
          %dma_wait3A_397 = tpu.memref_slice %arg6[%dma_wait3A_383, %dma_wait3A_395, %dma_wait3A_396] : memref<5x128x128xf32, #tpu.memory_space<vmem>> -> memref<1x128x128xf32, #tpu.memory_space<vmem>>
          %dma_wait3A_398 = tpu.memref_squeeze %dma_wait3A_397 : memref<1x128x128xf32, #tpu.memory_space<vmem>> -> memref<128x128xf32, #tpu.memory_space<vmem>>
          tpu.wait_dma2 semaphore(%dma_wait3A_392 : memref<!tpu.dma_semaphore, #tpu.memory_space<semaphore_mem>>) src(%dma_wait3A_398 : memref<128x128xf32, #tpu.memory_space<vmem>>) dst(%dma_wait3A_394 : memref<128x128xf32, #tpu.memory_space<hbm>>)
        } else {
        }
        %dma_start3A_365 = arith.constant 2 : i32
        %dma_start3A_366 = arith.constant 2 : i32
        %dma_start3A_367 = arith.constant 0 : i32
        %dma_start3A_368 = arith.constant 0 : i32
        %dma_start3A_369 = tpu.memref_slice %arg6[%dma_start3A_365, %dma_start3A_367, %dma_start3A_368] : memref<5x128x128xf32, #tpu.memory_space<vmem>> -> memref<1x128x128xf32, #tpu.memory_space<vmem>>
        %dma_start3A_370 = tpu.memref_squeeze %dma_start3A_369 : memref<1x128x128xf32, #tpu.memory_space<vmem>> -> memref<128x128xf32, #tpu.memory_space<vmem>>
        %dma_start3A_371 = arith.constant 0 : i32
        %dma_start3A_372 = tpu.memref_slice %arg5[%add3A_355, %dma_start3A_371] : memref<200x128xi32, #tpu.memory_space<vmem>> -> memref<1x128xi32, #tpu.memory_space<vmem>>
        %dma_start3A_373 = tpu.memref_squeeze %dma_start3A_372 : memref<1x128xi32, #tpu.memory_space<vmem>> -> memref<128xi32, #tpu.memory_space<vmem>>
        %dma_start3A_374 = arith.constant 0 : i32
        %dma_start3A_375 = arith.constant 0 : i32
        %dma_start3A_376 = tpu.memref_slice %arg3[%dma_start3A_374, %dma_start3A_375] : memref<1000000x128xf32, #tpu.memory_space<hbm>> -> memref<1000000x128xf32, #tpu.memory_space<hbm>>
        %dma_start3A_377 = tpu.memref_slice %arg7[%dma_start3A_366] : memref<5x!tpu.dma_semaphore, #tpu.memory_space<semaphore_mem>> -> memref<1x!tpu.dma_semaphore, #tpu.memory_space<semaphore_mem>>
        %dma_start3A_378 = tpu.memref_squeeze %dma_start3A_377 : memref<1x!tpu.dma_semaphore, #tpu.memory_space<semaphore_mem>> -> memref<!tpu.dma_semaphore, #tpu.memory_space<semaphore_mem>>
        tpu.enqueue_indirect_dma source(%dma_start3A_376 : memref<1000000x128xf32, #tpu.memory_space<hbm>>) target(%dma_start3A_370 : memref<128x128xf32, #tpu.memory_space<vmem>>) offsets(%dma_start3A_373 : memref<128xi32, #tpu.memory_space<vmem>>) semaphore(%dma_start3A_378 : memref<!tpu.dma_semaphore, #tpu.memory_space<semaphore_mem>>)
      } else {
      }
    }
    %scan3A_51 = arith.constant 40 : i32
    %add3A_52 = arith.constant 195 : i32
    %add3A_53 = arith.addi %mul3A_2, %add3A_52 : i32
    %mul3A_54 = arith.constant 128 : i32
    %mul3A_55 = arith.muli %add3A_53, %mul3A_54 : i32
    %dma_wait3A = arith.constant 0 : i32
    %dma_wait3A_56 = arith.constant 0 : i32
    %dma_wait3A_57 = arith.constant 0 : i32
    %dma_wait3A_58 = arith.constant 0 : i32
    %dma_wait3A_59 = tpu.memref_slice %arg6[%dma_wait3A, %dma_wait3A_57, %dma_wait3A_58] : memref<5x128x128xf32, #tpu.memory_space<vmem>> -> memref<1x128x128xf32, #tpu.memory_space<vmem>>
    %dma_wait3A_60 = tpu.memref_squeeze %dma_wait3A_59 : memref<1x128x128xf32, #tpu.memory_space<vmem>> -> memref<128x128xf32, #tpu.memory_space<vmem>>
    %dma_wait3A_61 = arith.constant 0 : i32
    %dma_wait3A_62 = tpu.memref_slice %arg4[%mul3A_55, %dma_wait3A_61] : memref<819200x128xf32, #tpu.memory_space<hbm>> -> memref<128x128xf32, #tpu.memory_space<hbm>>
    %dma_wait3A_63 = tpu.memref_slice %arg8[%dma_wait3A_56] : memref<5x!tpu.dma_semaphore, #tpu.memory_space<semaphore_mem>> -> memref<1x!tpu.dma_semaphore, #tpu.memory_space<semaphore_mem>>
    %dma_wait3A_64 = tpu.memref_squeeze %dma_wait3A_63 : memref<1x!tpu.dma_semaphore, #tpu.memory_space<semaphore_mem>> -> memref<!tpu.dma_semaphore, #tpu.memory_space<semaphore_mem>>
    %dma_wait3A_65 = arith.constant 0 : i32
    %dma_wait3A_66 = tpu.memref_slice %arg4[%mul3A_55, %dma_wait3A_65] : memref<819200x128xf32, #tpu.memory_space<hbm>> -> memref<128x128xf32, #tpu.memory_space<hbm>>
    %dma_wait3A_67 = arith.constant 0 : i32
    %dma_wait3A_68 = arith.constant 0 : i32
    %dma_wait3A_69 = tpu.memref_slice %arg6[%dma_wait3A, %dma_wait3A_67, %dma_wait3A_68] : memref<5x128x128xf32, #tpu.memory_space<vmem>> -> memref<1x128x128xf32, #tpu.memory_space<vmem>>
    %dma_wait3A_70 = tpu.memref_squeeze %dma_wait3A_69 : memref<1x128x128xf32, #tpu.memory_space<vmem>> -> memref<128x128xf32, #tpu.memory_space<vmem>>
    tpu.wait_dma2 semaphore(%dma_wait3A_64 : memref<!tpu.dma_semaphore, #tpu.memory_space<semaphore_mem>>) src(%dma_wait3A_70 : memref<128x128xf32, #tpu.memory_space<vmem>>) dst(%dma_wait3A_66 : memref<128x128xf32, #tpu.memory_space<hbm>>)
    %add3A_71 = arith.constant 196 : i32
    %add3A_72 = arith.addi %mul3A_2, %add3A_71 : i32
    %mul3A_73 = arith.constant 128 : i32
    %mul3A_74 = arith.muli %add3A_72, %mul3A_73 : i32
    %dma_wait3A_75 = arith.constant 1 : i32
    %dma_wait3A_76 = arith.constant 1 : i32
    %dma_wait3A_77 = arith.constant 0 : i32
    %dma_wait3A_78 = arith.constant 0 : i32
    %dma_wait3A_79 = tpu.memref_slice %arg6[%dma_wait3A_75, %dma_wait3A_77, %dma_wait3A_78] : memref<5x128x128xf32, #tpu.memory_space<vmem>> -> memref<1x128x128xf32, #tpu.memory_space<vmem>>
    %dma_wait3A_80 = tpu.memref_squeeze %dma_wait3A_79 : memref<1x128x128xf32, #tpu.memory_space<vmem>> -> memref<128x128xf32, #tpu.memory_space<vmem>>
    %dma_wait3A_81 = arith.constant 0 : i32
    %dma_wait3A_82 = tpu.memref_slice %arg4[%mul3A_74, %dma_wait3A_81] : memref<819200x128xf32, #tpu.memory_space<hbm>> -> memref<128x128xf32, #tpu.memory_space<hbm>>
    %dma_wait3A_83 = tpu.memref_slice %arg8[%dma_wait3A_76] : memref<5x!tpu.dma_semaphore, #tpu.memory_space<semaphore_mem>> -> memref<1x!tpu.dma_semaphore, #tpu.memory_space<semaphore_mem>>
    %dma_wait3A_84 = tpu.memref_squeeze %dma_wait3A_83 : memref<1x!tpu.dma_semaphore, #tpu.memory_space<semaphore_mem>> -> memref<!tpu.dma_semaphore, #tpu.memory_space<semaphore_mem>>
    %dma_wait3A_85 = arith.constant 0 : i32
    %dma_wait3A_86 = tpu.memref_slice %arg4[%mul3A_74, %dma_wait3A_85] : memref<819200x128xf32, #tpu.memory_space<hbm>> -> memref<128x128xf32, #tpu.memory_space<hbm>>
    %dma_wait3A_87 = arith.constant 0 : i32
    %dma_wait3A_88 = arith.constant 0 : i32
    %dma_wait3A_89 = tpu.memref_slice %arg6[%dma_wait3A_75, %dma_wait3A_87, %dma_wait3A_88] : memref<5x128x128xf32, #tpu.memory_space<vmem>> -> memref<1x128x128xf32, #tpu.memory_space<vmem>>
    %dma_wait3A_90 = tpu.memref_squeeze %dma_wait3A_89 : memref<1x128x128xf32, #tpu.memory_space<vmem>> -> memref<128x128xf32, #tpu.memory_space<vmem>>
    tpu.wait_dma2 semaphore(%dma_wait3A_84 : memref<!tpu.dma_semaphore, #tpu.memory_space<semaphore_mem>>) src(%dma_wait3A_90 : memref<128x128xf32, #tpu.memory_space<vmem>>) dst(%dma_wait3A_86 : memref<128x128xf32, #tpu.memory_space<hbm>>)
    %add3A_91 = arith.constant 197 : i32
    %add3A_92 = arith.addi %mul3A_2, %add3A_91 : i32
    %mul3A_93 = arith.constant 128 : i32
    %mul3A_94 = arith.muli %add3A_92, %mul3A_93 : i32
    %dma_wait3A_95 = arith.constant 2 : i32
    %dma_wait3A_96 = arith.constant 2 : i32
    %dma_wait3A_97 = arith.constant 0 : i32
    %dma_wait3A_98 = arith.constant 0 : i32
    %dma_wait3A_99 = tpu.memref_slice %arg6[%dma_wait3A_95, %dma_wait3A_97, %dma_wait3A_98] : memref<5x128x128xf32, #tpu.memory_space<vmem>> -> memref<1x128x128xf32, #tpu.memory_space<vmem>>
    %dma_wait3A_100 = tpu.memref_squeeze %dma_wait3A_99 : memref<1x128x128xf32, #tpu.memory_space<vmem>> -> memref<128x128xf32, #tpu.memory_space<vmem>>
    %dma_wait3A_101 = arith.constant 0 : i32
    %dma_wait3A_102 = tpu.memref_slice %arg4[%mul3A_94, %dma_wait3A_101] : memref<819200x128xf32, #tpu.memory_space<hbm>> -> memref<128x128xf32, #tpu.memory_space<hbm>>
    %dma_wait3A_103 = tpu.memref_slice %arg8[%dma_wait3A_96] : memref<5x!tpu.dma_semaphore, #tpu.memory_space<semaphore_mem>> -> memref<1x!tpu.dma_semaphore, #tpu.memory_space<semaphore_mem>>
    %dma_wait3A_104 = tpu.memref_squeeze %dma_wait3A_103 : memref<1x!tpu.dma_semaphore, #tpu.memory_space<semaphore_mem>> -> memref<!tpu.dma_semaphore, #tpu.memory_space<semaphore_mem>>
    %dma_wait3A_105 = arith.constant 0 : i32
    %dma_wait3A_106 = tpu.memref_slice %arg4[%mul3A_94, %dma_wait3A_105] : memref<819200x128xf32, #tpu.memory_space<hbm>> -> memref<128x128xf32, #tpu.memory_space<hbm>>
    %dma_wait3A_107 = arith.constant 0 : i32
    %dma_wait3A_108 = arith.constant 0 : i32
    %dma_wait3A_109 = tpu.memref_slice %arg6[%dma_wait3A_95, %dma_wait3A_107, %dma_wait3A_108] : memref<5x128x128xf32, #tpu.memory_space<vmem>> -> memref<1x128x128xf32, #tpu.memory_space<vmem>>
    %dma_wait3A_110 = tpu.memref_squeeze %dma_wait3A_109 : memref<1x128x128xf32, #tpu.memory_space<vmem>> -> memref<128x128xf32, #tpu.memory_space<vmem>>
    tpu.wait_dma2 semaphore(%dma_wait3A_104 : memref<!tpu.dma_semaphore, #tpu.memory_space<semaphore_mem>>) src(%dma_wait3A_110 : memref<128x128xf32, #tpu.memory_space<vmem>>) dst(%dma_wait3A_106 : memref<128x128xf32, #tpu.memory_space<hbm>>)
    %add3A_111 = arith.constant 198 : i32
    %add3A_112 = arith.addi %mul3A_2, %add3A_111 : i32
    %mul3A_113 = arith.constant 128 : i32
    %mul3A_114 = arith.muli %add3A_112, %mul3A_113 : i32
    %dma_wait3A_115 = arith.constant 3 : i32
    %dma_wait3A_116 = arith.constant 3 : i32
    %dma_wait3A_117 = arith.constant 0 : i32
    %dma_wait3A_118 = arith.constant 0 : i32
    %dma_wait3A_119 = tpu.memref_slice %arg6[%dma_wait3A_115, %dma_wait3A_117, %dma_wait3A_118] : memref<5x128x128xf32, #tpu.memory_space<vmem>> -> memref<1x128x128xf32, #tpu.memory_space<vmem>>
    %dma_wait3A_120 = tpu.memref_squeeze %dma_wait3A_119 : memref<1x128x128xf32, #tpu.memory_space<vmem>> -> memref<128x128xf32, #tpu.memory_space<vmem>>
    %dma_wait3A_121 = arith.constant 0 : i32
    %dma_wait3A_122 = tpu.memref_slice %arg4[%mul3A_114, %dma_wait3A_121] : memref<819200x128xf32, #tpu.memory_space<hbm>> -> memref<128x128xf32, #tpu.memory_space<hbm>>
    %dma_wait3A_123 = tpu.memref_slice %arg8[%dma_wait3A_116] : memref<5x!tpu.dma_semaphore, #tpu.memory_space<semaphore_mem>> -> memref<1x!tpu.dma_semaphore, #tpu.memory_space<semaphore_mem>>
    %dma_wait3A_124 = tpu.memref_squeeze %dma_wait3A_123 : memref<1x!tpu.dma_semaphore, #tpu.memory_space<semaphore_mem>> -> memref<!tpu.dma_semaphore, #tpu.memory_space<semaphore_mem>>
    %dma_wait3A_125 = arith.constant 0 : i32
    %dma_wait3A_126 = tpu.memref_slice %arg4[%mul3A_114, %dma_wait3A_125] : memref<819200x128xf32, #tpu.memory_space<hbm>> -> memref<128x128xf32, #tpu.memory_space<hbm>>
    %dma_wait3A_127 = arith.constant 0 : i32
    %dma_wait3A_128 = arith.constant 0 : i32
    %dma_wait3A_129 = tpu.memref_slice %arg6[%dma_wait3A_115, %dma_wait3A_127, %dma_wait3A_128] : memref<5x128x128xf32, #tpu.memory_space<vmem>> -> memref<1x128x128xf32, #tpu.memory_space<vmem>>
    %dma_wait3A_130 = tpu.memref_squeeze %dma_wait3A_129 : memref<1x128x128xf32, #tpu.memory_space<vmem>> -> memref<128x128xf32, #tpu.memory_space<vmem>>
    tpu.wait_dma2 semaphore(%dma_wait3A_124 : memref<!tpu.dma_semaphore, #tpu.memory_space<semaphore_mem>>) src(%dma_wait3A_130 : memref<128x128xf32, #tpu.memory_space<vmem>>) dst(%dma_wait3A_126 : memref<128x128xf32, #tpu.memory_space<hbm>>)
    %add3A_131 = arith.constant 199 : i32
    %add3A_132 = arith.addi %mul3A_2, %add3A_131 : i32
    %mul3A_133 = arith.constant 128 : i32
    %mul3A_134 = arith.muli %add3A_132, %mul3A_133 : i32
    %dma_wait3A_135 = arith.constant 4 : i32
    %dma_wait3A_136 = arith.constant 4 : i32
    %dma_wait3A_137 = arith.constant 0 : i32
    %dma_wait3A_138 = arith.constant 0 : i32
    %dma_wait3A_139 = tpu.memref_slice %arg6[%dma_wait3A_135, %dma_wait3A_137, %dma_wait3A_138] : memref<5x128x128xf32, #tpu.memory_space<vmem>> -> memref<1x128x128xf32, #tpu.memory_space<vmem>>
    %dma_wait3A_140 = tpu.memref_squeeze %dma_wait3A_139 : memref<1x128x128xf32, #tpu.memory_space<vmem>> -> memref<128x128xf32, #tpu.memory_space<vmem>>
    %dma_wait3A_141 = arith.constant 0 : i32
    %dma_wait3A_142 = tpu.memref_slice %arg4[%mul3A_134, %dma_wait3A_141] : memref<819200x128xf32, #tpu.memory_space<hbm>> -> memref<128x128xf32, #tpu.memory_space<hbm>>
    %dma_wait3A_143 = tpu.memref_slice %arg8[%dma_wait3A_136] : memref<5x!tpu.dma_semaphore, #tpu.memory_space<semaphore_mem>> -> memref<1x!tpu.dma_semaphore, #tpu.memory_space<semaphore_mem>>
    %dma_wait3A_144 = tpu.memref_squeeze %dma_wait3A_143 : memref<1x!tpu.dma_semaphore, #tpu.memory_space<semaphore_mem>> -> memref<!tpu.dma_semaphore, #tpu.memory_space<semaphore_mem>>
    %dma_wait3A_145 = arith.constant 0 : i32
    %dma_wait3A_146 = tpu.memref_slice %arg4[%mul3A_134, %dma_wait3A_145] : memref<819200x128xf32, #tpu.memory_space<hbm>> -> memref<128x128xf32, #tpu.memory_space<hbm>>
    %dma_wait3A_147 = arith.constant 0 : i32
    %dma_wait3A_148 = arith.constant 0 : i32
    %dma_wait3A_149 = tpu.memref_slice %arg6[%dma_wait3A_135, %dma_wait3A_147, %dma_wait3A_148] : memref<5x128x128xf32, #tpu.memory_space<vmem>> -> memref<1x128x128xf32, #tpu.memory_space<vmem>>
    %dma_wait3A_150 = tpu.memref_squeeze %dma_wait3A_149 : memref<1x128x128xf32, #tpu.memory_space<vmem>> -> memref<128x128xf32, #tpu.memory_space<vmem>>
    tpu.wait_dma2 semaphore(%dma_wait3A_144 : memref<!tpu.dma_semaphore, #tpu.memory_space<semaphore_mem>>) src(%dma_wait3A_150 : memref<128x128xf32, #tpu.memory_space<vmem>>) dst(%dma_wait3A_146 : memref<128x128xf32, #tpu.memory_space<hbm>>)
    return
  }
}

</mosaic_0001>

<sc_bundles>
// kernel: kernel.3.cloned.1.call-start
scs
__scs_entry_jumppad:
0x0: {  	(pc) =	sbr.rel $0x88, $3  }
0x1: {  	(tag) =	ssettag $0x0;
	lr =	simm.s32 $0x1  }
0x2: {  	[smem:$0x3F9F] =	sst lr;
	_ =	strace $0xD0000000  }
0x3: {  	_ = 	snop  }
0x4: {  	_ = 	snop  }
0x5: {  	_ = 	snop  }
0x6: {  	_ = 	snop  }
0x7: {  	_ = 	snop  }
__scs_overlays_trampoline_lowered:
0x8: {  	[smem:$0x3FAE] =	sst s0  }
0x9: {  	[smem:$0x3FAF] =	sst s1  }
0xa: {  	[smem:$0x3FB0] =	sst s2  }
0xb: {  	[smem:$0x3FB1] =	sst s3  }
0xc: {  	[smem:$0x3FB2] =	sst s4  }
0xd: {  	[smem:$0x3FB3] =	sst s5  }
0xe: {  	[smem:$0x3FB4] =	sst s6  }
0xf: {  	[smem:$0x3FB5] =	sst s7  }
0x10: {  	[smem:$0x3FB6] =	sst s8  }
0x11: {  	[smem:$0x3FB7] =	sst s9;
	s0 =	simm.s32 @!p0 $0x0  }
0x12: {  	s1 =	sld [smem:$0x3F9D];
	s0 =	simm.s32 @p0 $0x1  }
0x13: {  	[smem:$0x3FB8] =	sst s0;
	s0 =	simm.s32 @!p1 $0x0  }
0x14: {  	s2 =	sld [smem:$0x3F9C];
	s0 =	simm.s32 @p1 $0x1  }
0x15: {  	[smem:$0x3FB9] =	sst s0;
	s0 =	simm.s32 @!p2 $0x0  }
0x16: {  	s3 =	sld [smem:$0x3FDB];
	s0 =	simm.s32 @p2 $0x1  }
0x17: {  	s4 =	simm.s32 $0x1BF5;
	[smem:$0x3FBB] =	sst s0  }
0x18: {  	s0 =	sld [smem:$0x3F9E];
	_ =	swait.ge [sflag:s4], $0x0  }
0x19: {  	s7 =	sld [smem:$0x3F9F]  }
0x1a: {  	s8 =	sadd.s32 $0xFFFFE003, lr  }
0x1b: {  	s9 =	sadd.s32 $0xFFFFFEF7, lr;
	s5 =	simm.s32 $0xFFFFFFFF;
	p2 =	slt.u32 s8, $0xFFFFF086  }
0x1c: {  	p1 =	slt.u32 s9, $0xF7A;
	s5 =	simm.s32 @!p2 $0x0  }
0x1d: {  	s5 =	simm.s32 @p1 $0x1;
	p0 =	seq.s32 s7, s2  }
0x1e: {  	s7 =	smul.u32 @!p0 $0xF7A, s2;
	p2 =	seq.s32 @!p0 s5, $0x0  }
0x1f: {  	s9 =	smul.u32 $0xF7A, s1;
	s8 =	simm.s32 @!p0 $0x1BF5;
	p2 =	por !p2, p0  }
0x20: {  	[sflag:s8] =	ssyncset.s32 @!p0 $0xFFFFF086;
	s6 =	sadd.s32 @!p0 s3, s7;
	s7 =	simm.s32 @!p0 $0x108  }
0x21: {  	s3 =	sadd.s32 s3, s9;
	s6 =	sadd.s32 @!p0 $0x88, s6;
	s7 =	simm.s32 @p2 $0x1082  }
0x22: {  	[simem:s7], [sflag:s8] =	dma.local @!p0 [hbm:s6], $0xF7A  }
0x23: {  	s9 =	sor.u32 $0xD0000000, s2;
	s6 =	simm.s32 $0x108;
	_ =	swait.ge @!p0 [sflag:s8], $0x0  }
0x24: {  	s3 =	sadd.s32 $0x88, s3;
	s6 =	simm.s32 @!p1 $0x1082;
	[sflag:s4] =	ssyncset.s32 $0xFFFFF086  }
0x25: {  	[simem:s6], [sflag:s4] =	dma.local [hbm:s3], $0xF7A  }
0x26: {  	[smem:$0x3F9F] =	sst s1;
	(tag) =	ssettag s2;
	_ =	strace s9  }
0x27: {  	s1 =	sld [smem:$0x3FAF]  }
0x28: {  	s2 =	sld [smem:$0x3FB0]  }
0x29: {  	s4 =	sld [smem:$0x3FB2]  }
0x2a: {  	p0 =	seq.s32 s5, $0x0;
	s5 =	sld [smem:$0x3FB3]  }
0x2b: {  	s6 =	sld [smem:$0x3FB4]  }
0x2c: {  	s7 =	sld [smem:$0x3FB5]  }
0x2d: {  	s3 =	simm.s32 $0x108;
	s8 =	sld [smem:$0x3FB6]  }
0x2e: {  	s3 =	simm.s32 @!p0 $0x1082;
	s9 =	sld [smem:$0x3FB7]  }
0x2f: {  	lr =	sadd.s32 s0, s3;
	s0 =	sld [smem:$0x3FAE]  }
0x30: {  	s3 =	sld [smem:$0x3FB1]  }
0x31: {  	[smem:$0x3FBA] =	sst s10  }
0x32: {  	s10 =	sld [smem:$0x3FB8];
	_ =	sdelay $0x3  }
0x33: {  	p0 =	seq.s32 s10, $0x1;
	s10 =	sld [smem:$0x3FBA];
	_ =	sdelay $0x3  }
0x34: {  	[smem:$0x3FBA] =	sst s10  }
0x35: {  	s10 =	sld [smem:$0x3FB9];
	_ =	sdelay $0x3  }
0x36: {  	p1 =	seq.s32 s10, $0x1;
	s10 =	sld [smem:$0x3FBA];
	_ =	sdelay $0x3  }
0x37: {  	[smem:$0x3FBA] =	sst s10  }
0x38: {  	s10 =	sld [smem:$0x3FBB]  }
0x39: {  	_ = 	snop;
	(pc) =	sbr.ind lr, $3  }
0x3a: {  	_ = 	snop  }
0x3b: {  	_ = 	snop  }
0x3c: {  	p2 =	seq.s32 s10, $0x1;
	s10 =	sld [smem:$0x3FBA]  }
0x3d: {  	_ =	shalt  }
0x3e: {  	_ =	shalt  }
0x3f: {  	_ =	shalt  }
0x40: {  	_ =	shalt  }
0x41: {  	_ =	shalt  }
0x42: {  	_ =	shalt  }
0x43: {  	_ =	shalt  }
0x44: {  	_ =	shalt  }
0x45: {  	_ =	shalt  }
0x46: {  	_ =	shalt  }
0x47: {  	_ =	shalt  }
0x48: {  	_ =	shalt  }
0x49: {  	_ =	shalt  }
0x4a: {  	_ =	shalt  }
0x4b: {  	_ =	shalt  }
0x4c: {  	_ =	shalt  }
0x4d: {  	_ =	shalt  }
0x4e: {  	_ =	shalt  }
0x4f: {  	_ =	shalt  }
0x50: {  	_ =	shalt  }
0x51: {  	_ =	shalt  }
0x52: {  	_ =	shalt  }
0x53: {  	_ =	shalt  }
0x54: {  	_ =	shalt  }
0x55: {  	_ =	shalt  }
0x56: {  	_ =	shalt  }
0x57: {  	_ =	shalt  }
0x58: {  	_ =	shalt  }
0x59: {  	_ =	shalt  }
0x5a: {  	_ =	shalt  }
0x5b: {  	_ =	shalt  }
0x5c: {  	_ =	shalt  }
0x5d: {  	_ =	shalt  }
0x5e: {  	_ =	shalt  }
0x5f: {  	_ =	shalt  }
0x60: {  	_ =	shalt  }
0x61: {  	_ =	shalt  }
0x62: {  	_ =	shalt  }
0x63: {  	_ =	shalt  }
0x64: {  	_ =	shalt  }
0x65: {  	_ =	shalt  }
0x66: {  	_ =	shalt  }
0x67: {  	_ =	shalt  }
0x68: {  	_ =	shalt  }
0x69: {  	_ =	shalt  }
0x6a: {  	_ =	shalt  }
0x6b: {  	_ =	shalt  }
0x6c: {  	_ =	shalt  }
0x6d: {  	_ =	shalt  }
0x6e: {  	_ =	shalt  }
0x6f: {  	_ =	shalt  }
0x70: {  	_ =	shalt  }
0x71: {  	_ =	shalt  }
0x72: {  	_ =	shalt  }
0x73: {  	_ =	shalt  }
0x74: {  	_ =	shalt  }
0x75: {  	_ =	shalt  }
0x76: {  	_ =	shalt  }
0x77: {  	_ =	shalt  }
0x78: {  	_ =	shalt  }
0x79: {  	_ =	shalt  }
0x7a: {  	_ =	shalt  }
0x7b: {  	_ =	shalt  }
0x7c: {  	_ =	shalt  }
0x7d: {  	_ =	shalt  }
0x7e: {  	_ =	shalt  }
0x7f: {  	_ =	shalt  }
0x80: {  	_ =	shalt  }
0x81: {  	_ =	shalt  }
0x82: {  	_ =	shalt  }
0x83: {  	_ =	shalt  }
0x84: {  	_ =	shalt  }
0x85: {  	_ =	shalt  }
0x86: {  	_ =	shalt  }
0x87: {  	_ =	shalt  }
.Lfunc_end0:
.L_simem_size_0:
called_computation.1_lowered:
.L_overlay_start_0:
0x88: {  	s2 =	sld [smem:$0x3FD9]  }
0x89: {  	s3 =	sld [smem:$0x3FFE];
	_ =	sdelay $0x1  }
0x8a: {  	s1 =	srdreg.scid  }
0x8b: {  	s0 =	sand.u32 $0x1, s1  }
0x8c: {  	s17 =	sshll.u32 s0, $0xA;
	s2 =	sadd.s32 s3, s2  }
0x8d: {  	s2 =	sadd.s32 s2, s17  }
0x8e: {  	[smem:$0x3FC6] =	sst s2  }
0x8f: {  	_ = 	snop  }
0x90: {  	s2 =	sld [smem:$0x3FD0];
	(tm) =	ssettm $0x1  }
0x91: {  	s18 =	sld [smem:$0x3FFB];
	_ =	sdelay $0x3  }
0x92: {  	_ =	strace s18  }
0x93: {  	s3 =	sld [smem:$0x3FFC];
	_ =	sdelay $0x3  }
0x94: {  	_ =	strace s3  }
0x95: {  	s3 =	sld [smem:$0x3FFD];
	_ =	sdelay $0x3  }
0x96: {  	_ =	strace s3  }
0x97: {  	_ =	strace $0x8FFFFFFF  }
0x98: {  	s19 =	sld [smem:$0x3FDB];
	_ =	sdelay $0x1  }
0x99: {  	s4 =	simm.s32 $_scs_section_size  }
0x9a: {  	s5 =	simm.s32 $_size__tile_overlayer_lowered;
	s6 =	simm.s32 $_tile_overlayer_lowered  }
0x9b: {  	s22 =	simm.s32 $0x1BFF;
	s21 =	sshll.u32 s6, $0x1;
	s3 =	sadd.s32 s4, s19  }
0x9c: {  	s7 =	simm.s32 $0x0;
	s20 =	sshll.u32 s5, $0x1;
	s5 =	sadd.s32 s21, s3  }
0x9d: {  	[timem:s7], [sflag:s22] =	dma.local [hbm:s5], s20  }
0x9e: {  	_ =	swait.ge [sflag:s22], s20  }
0x9f: {  	s4 =	ssub.s32 $0x0, s20;
	[sflag:s22] =	ssyncset.done $0x0  }
0xa0: {  	[sflag:s22] =	ssyncadd.s32 s4;
	_ =	sdelay $0x1  }
0xa1: {  	s23 =	simm.s32 $0x1B8B  }
0xa2: {  	_ =	swait.ge [sflag:s23], $0x1  }
0xa3: {  	[sflag:s23] =	ssyncset.done $0x0  }
0xa4: {  	s25 =	simm.s32 $0x1B8E;
	s24 =	sld [smem:$0x3FFE];
	[sflag:s23] =	ssyncadd.s32 $0xFFFFFFFF  }
0xa5: {  	s26 =	simm.s32 $execute0_lowered;
	[smem:$0x3FD2] =	sst s25  }
0xa6: {  	s5 =	sshll.u32 s26, $0x1;
	_ =	strace $0x80000046;
	[dreg:$0x1] =	wrdreg $0xFFFFFFFF  }
0xa7: {  	s28 =	simm.s32 $_size_execute0_lowered;
	s3 =	sadd.s32 s3, s5;
	[dreg:$0x0] =	wrdreg $0x0  }
0xa8: {  	s5 =	sshll.u32 s28, $0x1;
	[dreg:$0x2] =	wrdreg s3  }
0xa9: {  	[dreg:$0x3] =	wrdreg s5  }
0xaa: {  	[dreg:$0x4] =	wrdreg $0xC0  }
0xab: {  	_ =	task [dreg:s7], $0x5FFFF  }
0xac: {  	[dreg:$0x1] =	wrdreg $0xFFFFFFFF  }
0xad: {  	[dreg:$0x0] =	wrdreg $0x60  }
0xae: {  	[dreg:$0x2] =	wrdreg s2  }
0xaf: {  	[dreg:$0x3] =	wrdreg s24  }
0xb0: {  	[dreg:$0x4] =	wrdreg $0x9  }
0xb1: {  	_ =	task.clear_ibuf [dreg:s7], $0x5FFFF;
	_ =	strace $0x90000046  }
0xb2: {  	s29 =	simm.s32 $0x9;
	_ =	strace $0x80000048  }
0xb3: {  	_ =	swait.ge [sflag:s29], $0x1  }
0xb4: {  	[sflag:s29] =	ssyncadd.s32 $0xFFFFFFFF  }
0xb5: {  	_ =	strace $0x90000048  }
0xb6: {  	_ =	sfence  }
0xb7: {  	s30 =	sld [smem:$0x0];
	_ =	sdelay $0x2  }
0xb8: {  	s31 =	sshll.u32 s1, $0xD;
	s1 =	sshrl.u32 s1, $0x2  }
0xb9: {  	s3 =	sand.u32 $0x4000, s31;
	s1 =	sadd.s32 s1, s30  }
0xba: {  	s0 =	sor.u32 s3, s0;
	s1 =	sshll.u32 s1, $0x11  }
0xbb: {  	s0 =	sor.u32 s1, s0  }
0xbc: {  	s0 =	sadd.s32 $0x8F2B, s0  }
0xbd: {  	[sflag:s0] =	ssyncadd.remote.s32 $0x1  }
0xbe: {  	_ =	sfence.sel $0xFFFF  }
0xbf: {  	[dreg:$0x0] =	wrdreg $0xFFFFFFFF;
	(pc) =	sbr.abs _section_cstart, $3  }
0xc0: {  	[dreg:$0x1] =	wrdreg $0xFFFFFFFF  }
0xc1: {  	_ =	task.clear_ibuf [dreg:s7], $0x2FFFF;
	_ =	strace $0x9FFFFFFF  }
0xc2: {  	(tm) =	ssettm $0x7FFFFFFF  }
0xc3: {  	_ =	shalt  }
tec
execute0_lowered:
.L_overlay_start_1:
0x0: {  	(tag) =	ssettag $0x1  }
0x1: {  	s1 =	srdreg.scid;
	s5 =	rddreg [dreg:$0x0]  }
0x2: {  	s0 =	stileid.u32;
	s4 =	rddreg [dreg:$0x1]  }
0x3: {  	s2 =	simm.s32 $0x0;
	s14 =	simm.s32 $0xE400;
	s15 =	simm.s32 $0x1  }
0x4: {  	s16 =	simm.s32 $0x12400;
	s17 =	simm.s32 $0x2;
	s18 =	simm.s32 $0x16400  }
0x5: {  	s19 =	simm.s32 $0x3;
	s20 =	simm.s32 $0x4;
	s21 =	simm.s32 $0x5  }
0x6: {  	s22 =	simm.s32 $0x6;
	s23 =	simm.s32 $0x7;
	s24 =	simm.s32 $0x8  }
0x7: {  	s28 =	simm.s32 $0x0;
	s6 =	sand.u32 $0x1, s1;
	s8 =	smul.u32 $0x190, s0  }
0x8: {  	s25 =	sshll.u32 s0, $0x1;
	[smem:$0x7FF] =	sst s2;
	s12 =	smul.u32 $0xC8000, s0  }
0x9: {  	s26 =	sadd.s32 $0xA00, s4;
	s3 =	sor.u32 s6, s25;
	s10 =	smul.u32 $0xC8, s6  }
0xa: {  	_ =	strace $0x80000047;
	s9 =	ssub.s32 $0x2, s6;
	s29 =	smul.u32 $0x64000, s6  }
0xb: {  	[dreg:$0x3] =	wrdreg s26;
	s25 =	simm.s32 $0x9;
	s7 =	smul.u32 $0xC80, s3  }
.Ltmp0:
0xc: {  	s26 =	simm.s32 $0xA;
	s11 =	sshrl.u32 s9, $0x1;
	(pc) =	sbr.rel .LBB2_1-.Ltmp0, $4  }
0xd: {  	s3 =	sadd.s32 $0xF42E00, s4;
	s9 =	ssub.s32 s9, s11;
	s31 =	sadd.s32 s10, s8  }
0xe: {  	s8 =	sadd.s32 s29, s12;
	s10 =	simm.s32 $0x80;
	s11 =	simm.s32 $0x6400  }
0xf: {  	s12 =	simm.s32 $0xA400;
	s30 =	sadd.s32 s5, s7;
	s6 =	smax.u32 s9, $0x1  }
0x10: {  	s7 =	sshll.u32 s31, $0xB;
	s9 =	simm.s32 $0xB;
	[dreg:$0x4] =	wrdreg s30  }
.LBB2_4:
0x11: {  	_ =	swait.ge [sflag:s22], $0x4000  }
0x12: {  	[sflag:s22] =	ssyncset.done $0x0  }
0x13: {  	[sflag:s22] =	ssyncadd.s32 $0xFFFFC000  }
0x14: {  	_ =	swait.ge [sflag:s23], $0x4000  }
0x15: {  	[sflag:s23] =	ssyncset.done $0x0  }
0x16: {  	[sflag:s23] =	ssyncadd.s32 $0xFFFFC000  }
0x17: {  	_ =	swait.ge [sflag:s24], $0x4000  }
0x18: {  	[sflag:s24] =	ssyncset.done $0x0  }
0x19: {  	s28 =	sadd.s32 $0x1, s28;
	[sflag:s24] =	ssyncadd.s32 $0xFFFFC000  }
0x1a: {  	p0 =	sne.s32 s28, s6;
	_ =	swait.ge [sflag:s25], $0x4000  }
.Ltmp1:
0x1b: {  	[sflag:s25] =	ssyncset.done $0x0;
	(pc) =	sbr.rel @!p0 .LBB2_5-.Ltmp1, $4  }
0x1c: {  	[sflag:s25] =	ssyncadd.s32 $0xFFFFC000  }
0x1d: {  	_ =	swait.ge [sflag:s26], $0x4000  }
0x1e: {  	[sflag:s26] =	ssyncset.done $0x0  }
0x1f: {  	[sflag:s26] =	ssyncadd.s32 $0xFFFFC000  }
.LBB2_1:
0x20: {  	s0 =	rddreg [dreg:$0x4]  }
0x21: {  	[tilespmem:s2], [sflag:$0xB] =	stream.linear.gather [hbm4b:s0+s2], $0x6400, $0x38;
	[tilespmem:$0x1A400] =	vst v63  }
0x22: {  	_ =	swait.ge [sflag:s9], $0x6400  }
0x23: {  	[sflag:s9] =	ssyncset.done $0x0  }
0x24: {  	[sflag:s9] =	ssyncadd.s32 $0xFFFF9C00  }
0x25: {  	[tilespmem:s11], [sflag:$0x1] =	stream.indirect.gather [hbm4b:s3+s10], $0x80, s2, s10, $0xb8;
	[tilespmem:$0x1A400] =	vst v63  }
0x26: {  	_ = 	snop  }
0x27: {  	[tilespmem:s12], [sflag:$0x2] =	stream.indirect.gather [hbm4b:s3+s10], $0x80, s10, s10, $0xb8;
	[tilespmem:$0x1A400] =	vst v63  }
0x28: {  	s31 =	simm.s32 $0x100;
	s30 =	simm.s32 $0x0;
	s29 =	rddreg [dreg:$0x3]  }
0x29: {  	[tilespmem:s14], [sflag:$0x3] =	stream.indirect.gather [hbm4b:s3+s10], $0x80, s31, s10, $0xb8;
	[tilespmem:$0x1A400] =	vst v63  }
.LBB2_2:
0x2a: {  	_ =	swait.ge [sflag:s15], $0x4000  }
0x2b: {  	p0 =	seq.s32 s30, $0x0;
	[sflag:s15] =	ssyncset.done $0x0  }
0x2c: {  	s31 =	sadd.s32 s29, s8;
	s1 =	simm.s32 @!p0 $0x9;
	[sflag:s15] =	ssyncadd.s32 $0xFFFFC000  }
0x2d: {  	[hbm4b:s31+s2] =	stream.linear.scatter [tilespmem:s11], [sflag:$0x6], $0x4000, $0x38;
	[tilespmem:$0x1A400] =	vst v63  }
0x2e: {  	_ =	swait.ge @!p0 [sflag:s1], $0x4000  }
0x2f: {  	s31 =	sshra.s32 s30, $0x2;
	[sflag:s1] =	ssyncset.done @!p0 $0x0  }
0x30: {  	s0 =	sadd.s32 $0x180, s31;
	[sflag:s1] =	ssyncadd.s32 @!p0 $0xFFFFC000  }
0x31: {  	[tilespmem:s16], [sflag:$0x4] =	stream.indirect.gather [hbm4b:s3+s10], $0x80, s0, s10, $0xb8;
	[tilespmem:$0x1A400] =	vst v63  }
0x32: {  	_ =	swait.ge [sflag:s17], $0x4000  }
0x33: {  	s1 =	sadd.s32 s29, s7;
	[sflag:s17] =	ssyncset.done $0x0  }
0x34: {  	s0 =	sadd.s32 $0x800, s1;
	[sflag:s17] =	ssyncadd.s32 $0xFFFFC000  }
0x35: {  	[hbm4b:s0+s2] =	stream.linear.scatter [tilespmem:s12], [sflag:$0x7], $0x4000, $0x38;
	[tilespmem:$0x1A400] =	vst v63  }
0x36: {  	s0 =	simm.s32 @!p0 $0xA  }
0x37: {  	_ =	swait.ge @!p0 [sflag:s0], $0x4000  }
0x38: {  	[sflag:s0] =	ssyncset.done @!p0 $0x0  }
0x39: {  	s4 =	sadd.s32 $0x200, s31;
	[sflag:s0] =	ssyncadd.s32 @!p0 $0xFFFFC000  }
0x3a: {  	[tilespmem:s18], [sflag:$0x5] =	stream.indirect.gather [hbm4b:s3+s10], $0x80, s4, s10, $0xb8;
	[tilespmem:$0x1A400] =	vst v63  }
0x3b: {  	_ =	swait.ge [sflag:s19], $0x4000  }
0x3c: {  	p0 =	seq.s32 s30, $0x18600;
	[sflag:s19] =	ssyncset.done $0x0  }
0x3d: {  	s5 =	sadd.s32 $0x1000, s1;
	s0 =	simm.s32 @!p0 $0x6;
	[sflag:s19] =	ssyncadd.s32 $0xFFFFC000  }
0x3e: {  	[hbm4b:s5+s2] =	stream.linear.scatter [tilespmem:s14], [sflag:$0x8], $0x4000, $0x38;
	[tilespmem:$0x1A400] =	vst v63  }
0x3f: {  	_ =	swait.ge @!p0 [sflag:s0], $0x4000  }
0x40: {  	[sflag:s0] =	ssyncset.done @!p0 $0x0  }
0x41: {  	[sflag:s0] =	ssyncadd.s32 @!p0 $0xFFFFC000;
	s0 =	sshra.s32 @!p0 s30, $0x2  }
0x42: {  	s4 =	simm.s32 @!p0 $0x80;
	s5 =	simm.s32 @!p0 $0x6400;
	s13 =	sadd.s32 @!p0 $0x280, s0  }
0x43: {  	[tilespmem:s5], [sflag:$0x1] =	stream.indirect.gather @!p0 [hbm4b:s3+s4], $0x80, s13, s4, $0xb8;
	[tilespmem:$0x1A400] =	vst v63  }
0x44: {  	_ =	swait.ge [sflag:s20], $0x4000  }
0x45: {  	[sflag:s20] =	ssyncset.done $0x0  }
0x46: {  	s13 =	sadd.s32 $0x1800, s1;
	s5 =	simm.s32 @!p0 $0x7;
	[sflag:s20] =	ssyncadd.s32 $0xFFFFC000  }
0x47: {  	[hbm4b:s13+s2] =	stream.linear.scatter [tilespmem:s16], [sflag:$0x9], $0x4000, $0x38;
	[tilespmem:$0x1A400] =	vst v63  }
0x48: {  	_ =	swait.ge @!p0 [sflag:s5], $0x4000  }
0x49: {  	[sflag:s5] =	ssyncset.done @!p0 $0x0  }
0x4a: {  	s0 =	sadd.s32 @!p0 $0x300, s0;
	[sflag:s5] =	ssyncadd.s32 @!p0 $0xFFFFC000;
	s5 =	simm.s32 @!p0 $0xA400  }
0x4b: {  	[tilespmem:s5], [sflag:$0x2] =	stream.indirect.gather @!p0 [hbm4b:s3+s4], $0x80, s0, s4, $0xb8;
	[tilespmem:$0x1A400] =	vst v63  }
.Ltmp2:
0x4c: {  	_ = 	snop;
	(pc) =	sbr.rel @p0 .LBB2_4-.Ltmp2, $4  }
0x4d: {  	_ =	swait.ge [sflag:s21], $0x4000  }
0x4e: {  	[sflag:s21] =	ssyncset.done $0x0  }
0x4f: {  	s13 =	sadd.s32 $0x2000, s1;
	[sflag:s21] =	ssyncadd.s32 $0xFFFFC000  }
0x50: {  	[hbm4b:s13+s2] =	stream.linear.scatter [tilespmem:s18], [sflag:$0xA], $0x4000, $0x38;
	[tilespmem:$0x1A400] =	vst v63  }
.Ltmp3:
0x51: {  	(pc) =	sbr.rel .LBB2_2-.Ltmp3, $4  }
0x52: {  	_ =	swait.ge [sflag:s24], $0x4000  }
0x53: {  	s0 =	sadd.s32 $0x380, s31;
	[sflag:s24] =	ssyncset.done $0x0  }
0x54: {  	s30 =	sadd.s32 $0xA00, s30;
	s29 =	sadd.s32 $0x2800, s29;
	[sflag:s24] =	ssyncadd.s32 $0xFFFFC000  }
0x55: {  	[tilespmem:s14], [sflag:$0x3] =	stream.indirect.gather [hbm4b:s3+s10], $0x80, s0, s10, $0xb8;
	[tilespmem:$0x1A400] =	vst v63  }
.LBB2_5:
0x56: {  	_ =	sfence.sel $0x180000  }
0x57: {  	[bflag:$0x0] =	sbarrier.arrive $0xFFFF  }
0x58: {  	_ =	strace $0x90000047  }
0x59: {  	s0 =	stileid.u32;
	[bflag:$0x2] =	sbarrier.arrive $0xFFFF  }
0x5a: {  	p0 =	sne.s32 s0, $0x0;
	s0 =	rddreg [dreg:$0x2]  }
0x5b: {  	s0 =	sadd.s32 @!p0 $0x100000, s0  }
0x5c: {  	[sflag:s0] =	ssyncadd.tile.s32 @!p0 $0x1;
	_ =	shalt  }
.Lfunc_end2:
_tile_overlayer_lowered:
.L_overlay_start_2:
0x5d: {  	(tag) =	ssettag $0x2  }
0x5e: {  	s0 =	rddreg [dreg:$0x0];
	s2 =	stileid.u32  }
0x5f: {  	s1 =	rddreg [dreg:$0x1];
	p0 =	sne.s32 s2, $0x0  }
0x60: {  	s3 =	rddreg [dreg:$0x2];
	[bflag:$0x3] =	sbarrier.arrive $0xFFFF;
	s2 =	simm.s32 @!p0 $0x1C0B  }
0x61: {  	[timem:s3], [sflag:s2] =	dma.local @!p0 [hbm:s0], s1  }
0x62: {  	s0 =	simm.s32 @!p0 $0xB  }
0x63: {  	_ =	swait.ge @!p0 [sflag:s0], s1  }
0x64: {  	s1 =	ssub.s32 @!p0 $0x0, s1;
	[sflag:s0] =	ssyncset.done @!p0 $0x0  }
0x65: {  	[sflag:s0] =	ssyncadd.s32 @!p0 s1  }
0x66: {  	[bflag:$0x3] =	sbarrier.arrive $0xFFFF  }
0x67: {  	_ =	shalt  }

// kernel: sparse-core-data-format-call.cloned.1.call-start
scs
called_computation_lowered:
.L_overlay_start_0:
0x0: {  	s2 =	sld [smem:$0x3FD9]  }
0x1: {  	s3 =	sld [smem:$0x3FFE];
	_ =	sdelay $0x1  }
0x2: {  	s1 =	srdreg.scid  }
0x3: {  	s0 =	sand.u32 $0x1, s1  }
0x4: {  	s18 =	sshll.u32 s0, $0xA;
	s2 =	sadd.s32 s3, s2  }
0x5: {  	s2 =	sadd.s32 s2, s18  }
0x6: {  	[smem:$0x3FC6] =	sst s2  }
0x7: {  	_ = 	snop  }
0x8: {  	s2 =	sld [smem:$0x3FD0];
	(tm) =	ssettm $0x1  }
0x9: {  	s19 =	sld [smem:$0x3FFB];
	_ =	sdelay $0x3  }
0xa: {  	_ =	strace s19  }
0xb: {  	s3 =	sld [smem:$0x3FFC];
	_ =	sdelay $0x3  }
0xc: {  	_ =	strace s3  }
0xd: {  	s3 =	sld [smem:$0x3FFD];
	_ =	sdelay $0x3  }
0xe: {  	_ =	strace s3  }
0xf: {  	_ =	strace $0x8FFFFFFF  }
0x10: {  	s20 =	sld [smem:$0x3FDB];
	_ =	sdelay $0x1  }
0x11: {  	s4 =	simm.s32 $_scs_section_size  }
0x12: {  	s5 =	simm.s32 $_size__tile_overlayer_lowered;
	s6 =	simm.s32 $_tile_overlayer_lowered  }
0x13: {  	s23 =	simm.s32 $0x1BFF;
	s22 =	sshll.u32 s6, $0x1;
	s3 =	sadd.s32 s4, s20  }
0x14: {  	s7 =	simm.s32 $0x0;
	s21 =	sshll.u32 s5, $0x1;
	s5 =	sadd.s32 s22, s3  }
0x15: {  	[timem:s7], [sflag:s23] =	dma.local [hbm:s5], s21  }
0x16: {  	_ =	swait.ge [sflag:s23], s21  }
0x17: {  	s4 =	ssub.s32 $0x0, s21;
	[sflag:s23] =	ssyncset.done $0x0  }
0x18: {  	[sflag:s23] =	ssyncadd.s32 s4;
	_ =	sdelay $0x1  }
0x19: {  	s24 =	simm.s32 $0x1B8B  }
0x1a: {  	_ =	swait.ge [sflag:s24], $0x1  }
0x1b: {  	[sflag:s24] =	ssyncset.done $0x0  }
0x1c: {  	s26 =	simm.s32 $0x1B8E;
	s25 =	sld [smem:$0x3FFE];
	[sflag:s24] =	ssyncadd.s32 $0xFFFFFFFF  }
0x1d: {  	s27 =	simm.s32 $execute0_lowered;
	[smem:$0x3FD2] =	sst s26  }
0x1e: {  	s5 =	sshll.u32 s27, $0x1;
	_ =	strace $0x80000049;
	[dreg:$0x1] =	wrdreg $0xFFFFFFFF  }
0x1f: {  	s28 =	simm.s32 $_size_execute0_lowered;
	s3 =	sadd.s32 s3, s5;
	[dreg:$0x0] =	wrdreg $0x0  }
0x20: {  	s5 =	sshll.u32 s28, $0x1;
	[dreg:$0x2] =	wrdreg s3  }
0x21: {  	[dreg:$0x3] =	wrdreg s5  }
0x22: {  	[dreg:$0x4] =	wrdreg $0xC0  }
0x23: {  	_ =	task [dreg:s7], $0x5FFFF  }
0x24: {  	[dreg:$0x1] =	wrdreg $0xFFFFFFFF  }
0x25: {  	[dreg:$0x0] =	wrdreg $0x60  }
0x26: {  	[dreg:$0x2] =	wrdreg s25  }
0x27: {  	[dreg:$0x3] =	wrdreg s2  }
0x28: {  	[dreg:$0x4] =	wrdreg $0x9  }
0x29: {  	_ =	task.clear_ibuf [dreg:s7], $0x5FFFF;
	_ =	strace $0x90000049  }
0x2a: {  	s29 =	simm.s32 $0x9;
	_ =	strace $0x8000004B  }
0x2b: {  	_ =	swait.ge [sflag:s29], $0x1  }
0x2c: {  	[sflag:s29] =	ssyncadd.s32 $0xFFFFFFFF  }
0x2d: {  	_ =	strace $0x9000004B  }
0x2e: {  	_ =	sfence  }
0x2f: {  	s30 =	sld [smem:$0x0];
	_ =	sdelay $0x2  }
0x30: {  	s31 =	sshll.u32 s1, $0xD;
	s1 =	sshrl.u32 s1, $0x2  }
0x31: {  	s3 =	sand.u32 $0x4000, s31;
	s1 =	sadd.s32 s1, s30  }
0x32: {  	s0 =	sor.u32 s3, s0;
	s1 =	sshll.u32 s1, $0x11  }
0x33: {  	s0 =	sor.u32 s1, s0  }
0x34: {  	s0 =	sadd.s32 $0x8F2B, s0  }
0x35: {  	[sflag:s0] =	ssyncadd.remote.s32 $0x1  }
0x36: {  	_ =	sfence.sel $0xFFFF  }
0x37: {  	[dreg:$0x0] =	wrdreg $0xFFFFFFFF;
	(pc) =	sbr.abs _section_cstart, $3  }
0x38: {  	[dreg:$0x1] =	wrdreg $0xFFFFFFFF  }
0x39: {  	_ =	task.clear_ibuf [dreg:s7], $0x2FFFF;
	_ =	strace $0x9FFFFFFF  }
0x3a: {  	(tm) =	ssettm $0x7FFFFFFF  }
0x3b: {  	_ =	shalt  }
tec
execute0_lowered:
.L_overlay_start_1:
0x0: {  	(tag) =	ssettag $0x1  }
0x1: {  	s0 =	srdreg.scid  }
0x2: {  	s1 =	sshll.u32 s0, $0x4  }
0x3: {  	s0 =	stileid.u32;
	s1 =	sand.u32 $0x10, s1  }
0x4: {  	s1 =	sor.u32 s0, s1  }
0x5: {  	s6 =	rddreg [dreg:$0x0];
	s4 =	simm.s32 $0x1;
	s2 =	sshll.u32 s1, $0x7  }
0x6: {  	s7 =	simm.s32 $0x2;
	s12 =	simm.s32 $0x0;
	s1 =	ssub.s32 $0x4000, s2  }
0x7: {  	s8 =	simm.s32 $0x20000;
	s13 =	simm.s32 $0x0;
	s3 =	sand.u32 $0xF80, s1  }
0x8: {  	s9 =	simm.s32 $0x0;
	s5 =	sshrl.u32 s1, $0xC;
	p0 =	sne.s32 s3, $0x0  }
.Ltmp0:
0x9: {  	s1 =	rddreg [dreg:$0x2];
	s4 =	simm.s32 @!p0 $0x0;
	(pc) =	sbr.rel .LBB1_1-.Ltmp0, $4  }
0xa: {  	s11 =	simm.s32 $0x0;
	s3 =	rddreg [dreg:$0x1];
	s5 =	sadd.s32 s4, s5  }
0xb: {  	_ =	strace $0x8000004A;
	s4 =	simm.s32 $0x1;
	s5 =	smul.u32 $0x32, s5  }
0xc: {  	s6 =	sadd.s32 $0xC80A00, s6;
	s10 =	smov.u32 s2;
	[sflag:s4] =	ssyncpa.u1 $0x0  }
0xd: {  	p0 =	por $0x0, $0x0;
	[sflag:s7] =	ssyncpa.u1 $0x0;
	s7 =	sor.u32 $0x1, s5  }
.LBB1_4:
0xe: {  	s16 =	sshll.u32 s13, $0x3;
	s17 =	sand.u32 $0x78, s13  }
0xf: {  	s30 =	sand.u32 $0x1F800, s13;
	s12 =	sshll.u32 s12, $0x11;
	s16 =	sand.u32 $0x3C00, s16  }
0x10: {  	[tilespmem:s15+$0x810 ss:$0x81] =	vst.msk $0xffff, v2;
	s31 =	sand.u32 $0x7, s13;
	s16 =	sor.u32 s17, s16;
	s17 =	sadd.s32 s3, s30  }
0x11: {  	[tilespmem:s15+$0x1020 ss:$0x81] =	vst.msk $0xffff, v0;
	s13 =	sshll.u32 s31, $0x12;
	s12 =	sadd.s32 s12, s17;
	s16 =	sshrl.u32 s16, $0x3  }
0x12: {  	[tilespmem:s15+$0x0 ss:$0x81] =	vst.msk $0xffff, v1;
	s13 =	sor.u32 $0x400, s13;
	s12 =	sadd.s32 s16, s12  }
0x13: {  	[hbm4b:s12+s13] =	stream.strided.scatter [tilespmem:s14], [sflag:$0x2], $0x2000, s8, s13, $0x20;
	[tilespmem:$0x8080] =	vst v63  }
.LBB1_5:
0x14: {  	s14 =	sadd.s32 $0x1, s9  }
0x15: {  	s12 =	sadd.s32 $0x1000, s10;
	s16 =	smov.u32 s10;
	p2 =	sgt.s32 s14, $0x31  }
0x16: {  	s16 =	smov.u32 @p2 s12  }
0x17: {  	s14 =	simm.s32 @p2 $0x0;
	p2 =	sgt.s32 s16, $0x3FFF  }
0x18: {  	s16 =	smov.u32 @p2 s2;
	p2 =	sne.s32 s11, s7  }
.Ltmp1:
0x19: {  	p1 =	slt.u32 s11, $0x2;
	(pc) =	sbr.rel @!p2 .LBB1_6-.Ltmp1, $4  }
0x1a: {  	s15 =	simm.s32 @!p1 $0x2  }
0x1b: {  	s13 =	smov.u32 s10;
	p0 =	por !p0, !p0;
	_ =	swait.ge @!p1 [sflag:s15], $0x2000  }
0x1c: {  	s12 =	smov.u32 s9;
	[sflag:s15] =	ssyncset.done @!p1 $0x0;
	s9 =	smov.u32 s14  }
0x1d: {  	s11 =	sadd.s32 $0x1, s11;
	[sflag:s15] =	ssyncadd.s32 @!p1 $0xFFFFE000;
	s10 =	smov.u32 s16  }
.LBB1_1:
0x1e: {  	p1 =	sge.u32 s11, s5  }
0x1f: {  	s14 =	sand.u32 @!p1 $0x1FFFFFF, s9  }
0x20: {  	s15 =	smulhi.u32 @!p1 $0x4924925, s14;
	_ =	sdelay $0x1  }
0x21: {  	s15 =	smul.u32 @!p1 $0x38, s15  }
0x22: {  	s16 =	sxor.u32 @!p1 $0xFFFFFFFF, s11;
	s17 =	smul.u32 @!p1 $0x380, s10  }
0x23: {  	s31 =	sadd.s32 $0xFFFFFFFF, s11;
	s16 =	sshll.u32 @!p1 s16, $0xD;
	s14 =	ssub.s32 @!p1 s14, s15  }
0x24: {  	s15 =	sand.u32 @!p1 $0x2000, s16;
	s16 =	sadd.s32 @!p1 s6, s17;
	s14 =	sshll.u32 @!p1 s14, $0x4  }
0x25: {  	s17 =	simm.s32 @!p1 $0x1C00;
	s14 =	sadd.s32 @!p1 s14, s16;
	s16 =	simm.s32 @!p1 $0x40  }
0x26: {  	[tilespmem:s15], [sflag:$0x1] =	stream.strided.gather @!p1 [hbm4b:s14+s16], $0x2000, s17, s16, $0x38;
	[tilespmem:$0x8080] =	vst v63  }
0x27: {  	p1 =	sge.u32 s31, s5  }
.Ltmp2:
0x28: {  	_ = 	snop;
	(pc) =	sbr.rel @p1 .LBB1_5-.Ltmp2, $1  }
0x29: {  	_ =	sdelay $0x3  }
0x2a: {  	s14 =	simm.s32 $0x1  }
0x2b: {  	_ =	swait.ge [sflag:s4], $0x2000;
	s14 =	simm.s32 @!p0 $0x0  }
0x2c: {  	[sflag:s4] =	ssyncset.done $0x0;
	s15 =	sshll.u32 s14, $0xD  }
0x2d: {  	[sflag:s4] =	ssyncadd.s32 $0xFFFFE000;
	s18 =	sor.u32 $0x20, s15  }
0x2e: {  	s14 =	smul.u32 $0x8100, s14;
	v3 =	vld [tilespmem:s18+$0x10]  }
0x2f: {  	s30 =	sand.u32 $0x1, s11;
	v2 =	vld [tilespmem:s18+$0xFFFFFFF0]  }
0x30: {  	s15 =	smul.u32 $0x8100, s30;
	s14 =	sshrl.u32 s14, $0x2;
	v0 =	vld [tilespmem:s18+$0x0]  }
0x31: {  	v1 =	vld [tilespmem:s18+$0xFFFFFFE0];
	s16 =	sor.u32 $0x4000, s14  }
0x32: {  	s31 =	sshrl.u32 s15, $0x2;
	s15 =	sadd.s32 $0x0, s16  }
0x33: {  	s17 =	simm.s32 $0x4;
	s18 =	sadd.s32 $0x40, s18;
	s14 =	sor.u32 $0x4000, s31;
	[tilespmem:s15+$0x1830 ss:$0x81] =	vst.msk $0xffff, v3  }
.LBB1_3:
0x34: {  	v3 =	vld [tilespmem:s18+$0x10];
	p1 =	sne.s32 s17, $0x1FC;
	[tilespmem:s15+$0x810 ss:$0x81] =	vst.msk $0xffff, v2;
	s19 =	smov.u32 s17;
	s17 =	sadd.s32 $0x4, s17  }
.Ltmp3:
0x35: {  	v2 =	vld [tilespmem:s18+$0xFFFFFFF0];
	[tilespmem:s15+$0x1020 ss:$0x81] =	vst.msk $0xffff, v0;
	(pc) =	sbr.rel @p1 .LBB1_3-.Ltmp3, $4  }
0x36: {  	v0 =	vld [tilespmem:s18+$0x0];
	[tilespmem:s15+$0x0 ss:$0x81] =	vst.msk $0xffff, v1  }
0x37: {  	s15 =	sshra.s32 s19, $0x2;
	v1 =	vld [tilespmem:s18+$0xFFFFFFE0]  }
0x38: {  	s15 =	sadd.s32 s15, s16  }
0x39: {  	s18 =	sadd.s32 $0x40, s18;
	[tilespmem:s15+$0x1830 ss:$0x81] =	vst.msk $0xffff, v3  }
.Ltmp4:
0x3a: {  	_ = 	snop;
	(pc) =	sbr.rel .LBB1_4-.Ltmp4, $1  }
0x3b: {  	_ =	sdelay $0x3  }
.LBB1_6:
0x3c: {  	_ =	sfence.sel $0x180000  }
0x3d: {  	s2 =	simm.s32 $0x1;
	[bflag:$0x0] =	sbarrier.arrive $0xFFFF  }
0x3e: {  	s31 =	simm.s32 $0x2;
	[sflag:s2] =	ssyncpa.u1 $0x1  }
0x3f: {  	[sflag:s31] =	ssyncpa.u1 $0x1  }
0x40: {  	p0 =	sne.s32 s0, $0x0;
	_ =	strace $0x9000004A  }
0x41: {  	s0 =	sadd.s32 @!p0 $0x100000, s1;
	[bflag:$0x2] =	sbarrier.arrive $0xFFFF  }
0x42: {  	[sflag:s0] =	ssyncadd.tile.s32 @!p0 $0x1;
	_ =	shalt  }
.Lfunc_end1:
_tile_overlayer_lowered:
.L_overlay_start_2:
0x43: {  	(tag) =	ssettag $0x2  }
0x44: {  	s0 =	rddreg [dreg:$0x0];
	s2 =	stileid.u32  }
0x45: {  	s1 =	rddreg [dreg:$0x1];
	p0 =	sne.s32 s2, $0x0  }
0x46: {  	s3 =	rddreg [dreg:$0x2];
	[bflag:$0x3] =	sbarrier.arrive $0xFFFF;
	s2 =	simm.s32 @!p0 $0x1C01  }
0x47: {  	[timem:s3], [sflag:s2] =	dma.local @!p0 [hbm:s0], s1  }
0x48: {  	s0 =	simm.s32 @!p0 $0x1  }
0x49: {  	_ =	swait.ge @!p0 [sflag:s0], s1  }
0x4a: {  	s1 =	ssub.s32 @!p0 $0x0, s1;
	[sflag:s0] =	ssyncset.done @!p0 $0x0  }
0x4b: {  	[sflag:s0] =	ssyncadd.s32 @!p0 s1  }
0x4c: {  	[bflag:$0x3] =	sbarrier.arrive $0xFFFF  }
0x4d: {  	_ =	shalt  }

</sc_bundles>
